<compile_context>
chip_gen: v7x
topology: tpu7x:2x2x1
jax: 0.10.2.dev20260603
libtpu: 0.0.44.dev20260713+nightly
codegen_flags: <defaults>
</compile_context>

<pallas_src>
import functools

import jax
import jax.numpy as jnp
from jax import lax
from jax.experimental import pallas as pl
from jax.experimental.pallas import tpu as pltpu
from jax.experimental.pallas import tpu_sc as plsc

_NUM_CORES = 2
_NUM_SUBCORES = 16
_NW = _NUM_CORES * _NUM_SUBCORES


def _sc_gather(table, idx):
    b = idx.shape[0]
    d = table.shape[1]
    b_per_w = b // _NW
    mesh = plsc.VectorSubcoreMesh(core_axis_name="c", subcore_axis_name="s")

    @functools.partial(
        pl.kernel,
        mesh=mesh,
        out_type=jax.ShapeDtypeStruct((b, d), jnp.float32),
        scratch_types=[
            pltpu.VMEM((b_per_w,), jnp.int32),
            pltpu.VMEM((b_per_w, d), jnp.float32),
            [pltpu.SemaphoreType.DMA] * 8,
        ],
    )
    def gather_kernel(table_hbm, idx_hbm, out_hbm, idx_v, rows_v, sems):
        wid = lax.axis_index("s") * _NUM_CORES + lax.axis_index("c")
        base = wid * b_per_w
        pltpu.sync_copy(idx_hbm.at[pl.ds(base, b_per_w)], idx_v)

        @plsc.parallel_loop(0, b_per_w // 16, unroll=4)
        def fire(g):
            vec = idx_v[pl.ds(g * 16, 16)]
            for lane in range(16):
                pltpu.async_copy(
                    table_hbm.at[vec[lane]],
                    rows_v.at[g * 16 + lane],
                    sems[lane % 8],
                )

        def drain(j, carry):
            for q in range(8):
                pltpu.make_async_copy(
                    table_hbm.at[0],
                    rows_v.at[0],
                    sems[q],
                ).wait()
            return carry

        lax.fori_loop(0, b_per_w // 8, drain, 0)
        pltpu.sync_copy(rows_v, out_hbm.at[pl.ds(base, b_per_w)])

    return gather_kernel(table, idx)


def _mlp_body(emb_ref, feat_ref, w1a_ref, w1b_ref, b1_ref, w2_ref, b2_ref,
              out_ref):
    h = (
        jnp.dot(emb_ref[...], w1a_ref[...], preferred_element_type=jnp.float32)
        + jnp.dot(feat_ref[...], w1b_ref[...],
                  preferred_element_type=jnp.float32)
        + b1_ref[...]
    )
    h = jnp.maximum(h, 0.0)
    logits = jnp.dot(h, w2_ref[...], preferred_element_type=jnp.float32)
    out_ref[...] = jax.nn.sigmoid(logits + b2_ref[...])


def _tc_mlp(embeds, features, W1, b1, W2, b2):
    b, d = embeds.shape
    f = features.shape[1]
    hidden = W1.shape[1]
    bm = 4096
    grid = b // bm
    w1a = W1[:d]
    w1b = W1[d:]
    b1r = b1.reshape(1, hidden)
    b2r = b2.reshape(1, 1)
    return pl.pallas_call(
        _mlp_body,
        grid=(grid,),
        in_specs=[
            pl.BlockSpec((bm, d), lambda i: (i, 0)),
            pl.BlockSpec((bm, f), lambda i: (i, 0)),
            pl.BlockSpec((d, hidden), lambda i: (0, 0)),
            pl.BlockSpec((f, hidden), lambda i: (0, 0)),
            pl.BlockSpec((1, hidden), lambda i: (0, 0)),
            pl.BlockSpec((hidden, 1), lambda i: (0, 0)),
            pl.BlockSpec((1, 1), lambda i: (0, 0)),
        ],
        out_specs=pl.BlockSpec((bm, 1), lambda i: (i, 0)),
        out_shape=jax.ShapeDtypeStruct((b, 1), jnp.float32),
    )(embeds, features, w1a, w1b, b1r, W2, b2r)


def kernel(ids, features, table, W1, b1, W2, b2):
    idx = ids.reshape(ids.shape[0])
    embeds = _sc_gather(table, idx)
    return _tc_mlp(embeds, features, W1, b1, W2, b2)

# --- scband reference (transcript-rebuilt; emitter-appended) ---
"""Pipeline reference for scband-buzz-model-33406255629015 (READ-ONLY COPY).

The authoritative reference and input builder live on the scoring server;
editing this copy changes nothing except your own understanding.
"""

import jax, jax.numpy as jnp
import numpy as np

B = 16384
V = 1000000
EMBED_DIM = 50
NUM_FEATURES = 100
HIDDEN = 50


def setup_inputs(seed: int = 0) -> dict:
    key = jax.random.key(seed)
    k1, k2, k3, k4, k5, k6, k7 = jax.random.split(key, 7)
    ids = jax.random.randint(k1, (B, 1), 0, V, dtype=jnp.int32)
    features = jax.random.normal(k2, (B, NUM_FEATURES), dtype=jnp.float32)
    table = jax.random.normal(k3, (V, EMBED_DIM), dtype=jnp.float32)
    W1 = jax.random.normal(k4, (EMBED_DIM + NUM_FEATURES, HIDDEN), dtype=jnp.float32) * 0.05
    b1 = jnp.zeros((HIDDEN,), dtype=jnp.float32)
    W2 = jax.random.normal(k5, (HIDDEN, 1), dtype=jnp.float32) * 0.05
    b2 = jnp.zeros((1,), dtype=jnp.float32)
    return {"ids": ids, "features": features, "table": table, "W1": W1, "b1": b1, "W2": W2, "b2": b2}


def reference(ids, features, table, W1, b1, W2, b2):
    # nn.Embedding lookup: [B, 1] -> [B, 1, EMBED_DIM]
    embeds = jnp.take(table, ids, axis=0)
    # squeeze(1) then cat with dense features along dim 1
    inputs = jnp.concatenate([embeds.squeeze(1), features], axis=1)
    # buzzer MLP (dropout is identity in eval mode)
    h = jnp.maximum(inputs @ W1 + b1, 0.0)
    logits = h @ W2 + b2
    y_pred = jax.nn.sigmoid(logits)
    return y_pred

if __name__ == "__main__":
    import jax
    _d = setup_inputs()
    print(jax.jit(kernel)(*tuple(_d.values())))

</pallas_src>

<mosaic_0001>
#map = affine_map<(d0, d1) -> (0, 0)>
#map1 = affine_map<(d0, d1) -> (0)>
module attributes {stable_mosaic.version = 14 : i64} {
  func.func @gather_kernel(%arg0: i32, %arg1: i32, %arg2: memref<1000000x50xf32, #tpu.memory_space<hbm>>, %arg3: memref<16384xi32, #tpu.memory_space<hbm>>, %arg4: memref<16384x50xf32, #tpu.memory_space<hbm>>, %arg5: memref<512xi32, #tpu.memory_space<vmem>>, %arg6: memref<512x50xf32, #tpu.memory_space<vmem>>, %arg7: memref<!tpu.dma_semaphore, #tpu.memory_space<semaphore_mem>>, %arg8: memref<!tpu.dma_semaphore, #tpu.memory_space<semaphore_mem>>, %arg9: memref<!tpu.dma_semaphore, #tpu.memory_space<semaphore_mem>>, %arg10: memref<!tpu.dma_semaphore, #tpu.memory_space<semaphore_mem>>, %arg11: memref<!tpu.dma_semaphore, #tpu.memory_space<semaphore_mem>>, %arg12: memref<!tpu.dma_semaphore, #tpu.memory_space<semaphore_mem>>, %arg13: memref<!tpu.dma_semaphore, #tpu.memory_space<semaphore_mem>>, %arg14: memref<!tpu.dma_semaphore, #tpu.memory_space<semaphore_mem>>) attributes {dimension_semantics = [#tpu.dimension_semantics<core_parallel>, #tpu.dimension_semantics<subcore_parallel>], iteration_bounds = array<i64: 2, 16>, scalar_prefetch = 0 : i64, scratch_operands = 10 : i64, tpu.core_type = #tpu.core_type<sc_vector_subcore>, window_params = [{transform_indices = #map}, {transform_indices = #map1}, {transform_indices = #map}]} {
    %mul3A = arith.constant 2 : i32
    %mul3A_0 = arith.muli %arg1, %mul3A : i32
    %add3A = arith.addi %mul3A_0, %arg0 : i32
    %mul3A_1 = arith.constant 512 : i32
    %mul3A_2 = arith.muli %add3A, %mul3A_1 : i32
    "tpu.region"() ({
      %run_scoped3A = tpu.sem_alloc : memref<!tpu.dma_semaphore, #tpu.memory_space<semaphore_mem>>
      %dma_start3A = tpu.memref_slice %arg3[%mul3A_2] : memref<16384xi32, #tpu.memory_space<hbm>> -> memref<512xi32, #tpu.memory_space<hbm>>
      %dma_start3A_10 = tpu.memref_slice %arg3[%mul3A_2] : memref<16384xi32, #tpu.memory_space<hbm>> -> memref<512xi32, #tpu.memory_space<hbm>>
      tpu.enqueue_dma source(%dma_start3A_10 : memref<512xi32, #tpu.memory_space<hbm>>) target(%arg5 : memref<512xi32, #tpu.memory_space<vmem>>) target_semaphore(%run_scoped3A : memref<!tpu.dma_semaphore, #tpu.memory_space<semaphore_mem>>)
      %dma_wait3A = tpu.memref_slice %arg3[%mul3A_2] : memref<16384xi32, #tpu.memory_space<hbm>> -> memref<512xi32, #tpu.memory_space<hbm>>
      %dma_wait3A_11 = tpu.memref_slice %arg3[%mul3A_2] : memref<16384xi32, #tpu.memory_space<hbm>> -> memref<512xi32, #tpu.memory_space<hbm>>
      tpu.wait_dma2 semaphore(%run_scoped3A : memref<!tpu.dma_semaphore, #tpu.memory_space<semaphore_mem>>) src(%dma_wait3A_11 : memref<512xi32, #tpu.memory_space<hbm>>) dst(%arg5 : memref<512xi32, #tpu.memory_space<vmem>>)
      tpu.yield
    }) : () -> ()
    %parallel_loop3A = arith.constant 0 : i32
    %parallel_loop3A_3 = arith.constant 32 : i32
    %parallel_loop3A_4 = arith.constant 1 : i32
    scf.for %parallel_loop3A_10 = %parallel_loop3A to %parallel_loop3A_3 step %parallel_loop3A_4  : i32 {
      %parallel_loop3A_11 = arith.constant 16 : i32
      %parallel_loop3A_12 = arith.muli %parallel_loop3A_10, %parallel_loop3A_11 : i32
      %parallel_loop3A_13 = arith.index_cast %parallel_loop3A_12 : i32 to index
      %parallel_loop3A_14 = tpu.vector_load %arg5[%parallel_loop3A_13] {strides = array<i32>} : memref<512xi32, #tpu.memory_space<vmem>>, vector<16xi32>,
      %parallel_loop3A_15 = vector.shape_cast %parallel_loop3A_14 : vector<16xi32> to vector<16xi32>
      %parallel_loop3A_16 = vector.extract_strided_slice %parallel_loop3A_15 {offsets = [0], sizes = [1], strides = [1]} : vector<16xi32> to vector<1xi32>
      %parallel_loop3A_17 = vector.extract %parallel_loop3A_16[0] : i32 from vector<1xi32>
      %parallel_loop3A_18 = arith.constant 16 : i32
      %parallel_loop3A_19 = arith.muli %parallel_loop3A_10, %parallel_loop3A_18 : i32
      %parallel_loop3A_20 = arith.constant 0 : i32
      %parallel_loop3A_21 = arith.addi %parallel_loop3A_19, %parallel_loop3A_20 : i32
      %parallel_loop3A_22 = arith.constant 0 : i32
      %parallel_loop3A_23 = tpu.memref_slice %arg6[%parallel_loop3A_21, %parallel_loop3A_22] : memref<512x50xf32, #tpu.memory_space<vmem>> -> memref<1x50xf32, #tpu.memory_space<vmem>>
      %parallel_loop3A_24 = tpu.memref_squeeze %parallel_loop3A_23 : memref<1x50xf32, #tpu.memory_space<vmem>> -> memref<50xf32, #tpu.memory_space<vmem>>
      %parallel_loop3A_25 = arith.constant 0 : i32
      %parallel_loop3A_26 = tpu.memref_slice %arg2[%parallel_loop3A_17, %parallel_loop3A_25] : memref<1000000x50xf32, #tpu.memory_space<hbm>> -> memref<1x50xf32, #tpu.memory_space<hbm>>
      %parallel_loop3A_27 = tpu.memref_squeeze %parallel_loop3A_26 : memref<1x50xf32, #tpu.memory_space<hbm>> -> memref<50xf32, #tpu.memory_space<hbm>>
      %parallel_loop3A_28 = arith.constant 0 : i32
      %parallel_loop3A_29 = tpu.memref_slice %arg6[%parallel_loop3A_21, %parallel_loop3A_28] : memref<512x50xf32, #tpu.memory_space<vmem>> -> memref<1x50xf32, #tpu.memory_space<vmem>>
      %parallel_loop3A_30 = tpu.memref_squeeze %parallel_loop3A_29 : memref<1x50xf32, #tpu.memory_space<vmem>> -> memref<50xf32, #tpu.memory_space<vmem>>
      %parallel_loop3A_31 = arith.constant 0 : i32
      %parallel_loop3A_32 = tpu.memref_slice %arg2[%parallel_loop3A_17, %parallel_loop3A_31] : memref<1000000x50xf32, #tpu.memory_space<hbm>> -> memref<1x50xf32, #tpu.memory_space<hbm>>
      %parallel_loop3A_33 = tpu.memref_squeeze %parallel_loop3A_32 : memref<1x50xf32, #tpu.memory_space<hbm>> -> memref<50xf32, #tpu.memory_space<hbm>>
      tpu.enqueue_dma source(%parallel_loop3A_33 : memref<50xf32, #tpu.memory_space<hbm>>) target(%parallel_loop3A_30 : memref<50xf32, #tpu.memory_space<vmem>>) target_semaphore(%arg7 : memref<!tpu.dma_semaphore, #tpu.memory_space<semaphore_mem>>)
      %parallel_loop3A_34 = vector.extract_strided_slice %parallel_loop3A_15 {offsets = [1], sizes = [1], strides = [1]} : vector<16xi32> to vector<1xi32>
      %parallel_loop3A_35 = vector.extract %parallel_loop3A_34[0] : i32 from vector<1xi32>
      %parallel_loop3A_36 = arith.constant 16 : i32
      %parallel_loop3A_37 = arith.muli %parallel_loop3A_10, %parallel_loop3A_36 : i32
      %parallel_loop3A_38 = arith.constant 1 : i32
      %parallel_loop3A_39 = arith.addi %parallel_loop3A_37, %parallel_loop3A_38 : i32
      %parallel_loop3A_40 = arith.constant 0 : i32
      %parallel_loop3A_41 = tpu.memref_slice %arg6[%parallel_loop3A_39, %parallel_loop3A_40] : memref<512x50xf32, #tpu.memory_space<vmem>> -> memref<1x50xf32, #tpu.memory_space<vmem>>
      %parallel_loop3A_42 = tpu.memref_squeeze %parallel_loop3A_41 : memref<1x50xf32, #tpu.memory_space<vmem>> -> memref<50xf32, #tpu.memory_space<vmem>>
      %parallel_loop3A_43 = arith.constant 0 : i32
      %parallel_loop3A_44 = tpu.memref_slice %arg2[%parallel_loop3A_35, %parallel_loop3A_43] : memref<1000000x50xf32, #tpu.memory_space<hbm>> -> memref<1x50xf32, #tpu.memory_space<hbm>>
      %parallel_loop3A_45 = tpu.memref_squeeze %parallel_loop3A_44 : memref<1x50xf32, #tpu.memory_space<hbm>> -> memref<50xf32, #tpu.memory_space<hbm>>
      %parallel_loop3A_46 = arith.constant 0 : i32
      %parallel_loop3A_47 = tpu.memref_slice %arg6[%parallel_loop3A_39, %parallel_loop3A_46] : memref<512x50xf32, #tpu.memory_space<vmem>> -> memref<1x50xf32, #tpu.memory_space<vmem>>
      %parallel_loop3A_48 = tpu.memref_squeeze %parallel_loop3A_47 : memref<1x50xf32, #tpu.memory_space<vmem>> -> memref<50xf32, #tpu.memory_space<vmem>>
      %parallel_loop3A_49 = arith.constant 0 : i32
      %parallel_loop3A_50 = tpu.memref_slice %arg2[%parallel_loop3A_35, %parallel_loop3A_49] : memref<1000000x50xf32, #tpu.memory_space<hbm>> -> memref<1x50xf32, #tpu.memory_space<hbm>>
      %parallel_loop3A_51 = tpu.memref_squeeze %parallel_loop3A_50 : memref<1x50xf32, #tpu.memory_space<hbm>> -> memref<50xf32, #tpu.memory_space<hbm>>
      tpu.enqueue_dma source(%parallel_loop3A_51 : memref<50xf32, #tpu.memory_space<hbm>>) target(%parallel_loop3A_48 : memref<50xf32, #tpu.memory_space<vmem>>) target_semaphore(%arg8 : memref<!tpu.dma_semaphore, #tpu.memory_space<semaphore_mem>>)
      %parallel_loop3A_52 = vector.extract_strided_slice %parallel_loop3A_15 {offsets = [2], sizes = [1], strides = [1]} : vector<16xi32> to vector<1xi32>
      %parallel_loop3A_53 = vector.extract %parallel_loop3A_52[0] : i32 from vector<1xi32>
      %parallel_loop3A_54 = arith.constant 16 : i32
      %parallel_loop3A_55 = arith.muli %parallel_loop3A_10, %parallel_loop3A_54 : i32
      %parallel_loop3A_56 = arith.constant 2 : i32
      %parallel_loop3A_57 = arith.addi %parallel_loop3A_55, %parallel_loop3A_56 : i32
      %parallel_loop3A_58 = arith.constant 0 : i32
      %parallel_loop3A_59 = tpu.memref_slice %arg6[%parallel_loop3A_57, %parallel_loop3A_58] : memref<512x50xf32, #tpu.memory_space<vmem>> -> memref<1x50xf32, #tpu.memory_space<vmem>>
      %parallel_loop3A_60 = tpu.memref_squeeze %parallel_loop3A_59 : memref<1x50xf32, #tpu.memory_space<vmem>> -> memref<50xf32, #tpu.memory_space<vmem>>
      %parallel_loop3A_61 = arith.constant 0 : i32
      %parallel_loop3A_62 = tpu.memref_slice %arg2[%parallel_loop3A_53, %parallel_loop3A_61] : memref<1000000x50xf32, #tpu.memory_space<hbm>> -> memref<1x50xf32, #tpu.memory_space<hbm>>
      %parallel_loop3A_63 = tpu.memref_squeeze %parallel_loop3A_62 : memref<1x50xf32, #tpu.memory_space<hbm>> -> memref<50xf32, #tpu.memory_space<hbm>>
      %parallel_loop3A_64 = arith.constant 0 : i32
      %parallel_loop3A_65 = tpu.memref_slice %arg6[%parallel_loop3A_57, %parallel_loop3A_64] : memref<512x50xf32, #tpu.memory_space<vmem>> -> memref<1x50xf32, #tpu.memory_space<vmem>>
      %parallel_loop3A_66 = tpu.memref_squeeze %parallel_loop3A_65 : memref<1x50xf32, #tpu.memory_space<vmem>> -> memref<50xf32, #tpu.memory_space<vmem>>
      %parallel_loop3A_67 = arith.constant 0 : i32
      %parallel_loop3A_68 = tpu.memref_slice %arg2[%parallel_loop3A_53, %parallel_loop3A_67] : memref<1000000x50xf32, #tpu.memory_space<hbm>> -> memref<1x50xf32, #tpu.memory_space<hbm>>
      %parallel_loop3A_69 = tpu.memref_squeeze %parallel_loop3A_68 : memref<1x50xf32, #tpu.memory_space<hbm>> -> memref<50xf32, #tpu.memory_space<hbm>>
      tpu.enqueue_dma source(%parallel_loop3A_69 : memref<50xf32, #tpu.memory_space<hbm>>) target(%parallel_loop3A_66 : memref<50xf32, #tpu.memory_space<vmem>>) target_semaphore(%arg9 : memref<!tpu.dma_semaphore, #tpu.memory_space<semaphore_mem>>)
      %parallel_loop3A_70 = vector.extract_strided_slice %parallel_loop3A_15 {offsets = [3], sizes = [1], strides = [1]} : vector<16xi32> to vector<1xi32>
      %parallel_loop3A_71 = vector.extract %parallel_loop3A_70[0] : i32 from vector<1xi32>
      %parallel_loop3A_72 = arith.constant 16 : i32
      %parallel_loop3A_73 = arith.muli %parallel_loop3A_10, %parallel_loop3A_72 : i32
      %parallel_loop3A_74 = arith.constant 3 : i32
      %parallel_loop3A_75 = arith.addi %parallel_loop3A_73, %parallel_loop3A_74 : i32
      %parallel_loop3A_76 = arith.constant 0 : i32
      %parallel_loop3A_77 = tpu.memref_slice %arg6[%parallel_loop3A_75, %parallel_loop3A_76] : memref<512x50xf32, #tpu.memory_space<vmem>> -> memref<1x50xf32, #tpu.memory_space<vmem>>
      %parallel_loop3A_78 = tpu.memref_squeeze %parallel_loop3A_77 : memref<1x50xf32, #tpu.memory_space<vmem>> -> memref<50xf32, #tpu.memory_space<vmem>>
      %parallel_loop3A_79 = arith.constant 0 : i32
      %parallel_loop3A_80 = tpu.memref_slice %arg2[%parallel_loop3A_71, %parallel_loop3A_79] : memref<1000000x50xf32, #tpu.memory_space<hbm>> -> memref<1x50xf32, #tpu.memory_space<hbm>>
      %parallel_loop3A_81 = tpu.memref_squeeze %parallel_loop3A_80 : memref<1x50xf32, #tpu.memory_space<hbm>> -> memref<50xf32, #tpu.memory_space<hbm>>
      %parallel_loop3A_82 = arith.constant 0 : i32
      %parallel_loop3A_83 = tpu.memref_slice %arg6[%parallel_loop3A_75, %parallel_loop3A_82] : memref<512x50xf32, #tpu.memory_space<vmem>> -> memref<1x50xf32, #tpu.memory_space<vmem>>
      %parallel_loop3A_84 = tpu.memref_squeeze %parallel_loop3A_83 : memref<1x50xf32, #tpu.memory_space<vmem>> -> memref<50xf32, #tpu.memory_space<vmem>>
      %parallel_loop3A_85 = arith.constant 0 : i32
      %parallel_loop3A_86 = tpu.memref_slice %arg2[%parallel_loop3A_71, %parallel_loop3A_85] : memref<1000000x50xf32, #tpu.memory_space<hbm>> -> memref<1x50xf32, #tpu.memory_space<hbm>>
      %parallel_loop3A_87 = tpu.memref_squeeze %parallel_loop3A_86 : memref<1x50xf32, #tpu.memory_space<hbm>> -> memref<50xf32, #tpu.memory_space<hbm>>
      tpu.enqueue_dma source(%parallel_loop3A_87 : memref<50xf32, #tpu.memory_space<hbm>>) target(%parallel_loop3A_84 : memref<50xf32, #tpu.memory_space<vmem>>) target_semaphore(%arg10 : memref<!tpu.dma_semaphore, #tpu.memory_space<semaphore_mem>>)
      %parallel_loop3A_88 = vector.extract_strided_slice %parallel_loop3A_15 {offsets = [4], sizes = [1], strides = [1]} : vector<16xi32> to vector<1xi32>
      %parallel_loop3A_89 = vector.extract %parallel_loop3A_88[0] : i32 from vector<1xi32>
      %parallel_loop3A_90 = arith.constant 16 : i32
      %parallel_loop3A_91 = arith.muli %parallel_loop3A_10, %parallel_loop3A_90 : i32
      %parallel_loop3A_92 = arith.constant 4 : i32
      %parallel_loop3A_93 = arith.addi %parallel_loop3A_91, %parallel_loop3A_92 : i32
      %parallel_loop3A_94 = arith.constant 0 : i32
      %parallel_loop3A_95 = tpu.memref_slice %arg6[%parallel_loop3A_93, %parallel_loop3A_94] : memref<512x50xf32, #tpu.memory_space<vmem>> -> memref<1x50xf32, #tpu.memory_space<vmem>>
      %parallel_loop3A_96 = tpu.memref_squeeze %parallel_loop3A_95 : memref<1x50xf32, #tpu.memory_space<vmem>> -> memref<50xf32, #tpu.memory_space<vmem>>
      %parallel_loop3A_97 = arith.constant 0 : i32
      %parallel_loop3A_98 = tpu.memref_slice %arg2[%parallel_loop3A_89, %parallel_loop3A_97] : memref<1000000x50xf32, #tpu.memory_space<hbm>> -> memref<1x50xf32, #tpu.memory_space<hbm>>
      %parallel_loop3A_99 = tpu.memref_squeeze %parallel_loop3A_98 : memref<1x50xf32, #tpu.memory_space<hbm>> -> memref<50xf32, #tpu.memory_space<hbm>>
      %parallel_loop3A_100 = arith.constant 0 : i32
      %parallel_loop3A_101 = tpu.memref_slice %arg6[%parallel_loop3A_93, %parallel_loop3A_100] : memref<512x50xf32, #tpu.memory_space<vmem>> -> memref<1x50xf32, #tpu.memory_space<vmem>>
      %parallel_loop3A_102 = tpu.memref_squeeze %parallel_loop3A_101 : memref<1x50xf32, #tpu.memory_space<vmem>> -> memref<50xf32, #tpu.memory_space<vmem>>
      %parallel_loop3A_103 = arith.constant 0 : i32
      %parallel_loop3A_104 = tpu.memref_slice %arg2[%parallel_loop3A_89, %parallel_loop3A_103] : memref<1000000x50xf32, #tpu.memory_space<hbm>> -> memref<1x50xf32, #tpu.memory_space<hbm>>
      %parallel_loop3A_105 = tpu.memref_squeeze %parallel_loop3A_104 : memref<1x50xf32, #tpu.memory_space<hbm>> -> memref<50xf32, #tpu.memory_space<hbm>>
      tpu.enqueue_dma source(%parallel_loop3A_105 : memref<50xf32, #tpu.memory_space<hbm>>) target(%parallel_loop3A_102 : memref<50xf32, #tpu.memory_space<vmem>>) target_semaphore(%arg11 : memref<!tpu.dma_semaphore, #tpu.memory_space<semaphore_mem>>)
      %parallel_loop3A_106 = vector.extract_strided_slice %parallel_loop3A_15 {offsets = [5], sizes = [1], strides = [1]} : vector<16xi32> to vector<1xi32>
      %parallel_loop3A_107 = vector.extract %parallel_loop3A_106[0] : i32 from vector<1xi32>
      %parallel_loop3A_108 = arith.constant 16 : i32
      %parallel_loop3A_109 = arith.muli %parallel_loop3A_10, %parallel_loop3A_108 : i32
      %parallel_loop3A_110 = arith.constant 5 : i32
      %parallel_loop3A_111 = arith.addi %parallel_loop3A_109, %parallel_loop3A_110 : i32
      %parallel_loop3A_112 = arith.constant 0 : i32
      %parallel_loop3A_113 = tpu.memref_slice %arg6[%parallel_loop3A_111, %parallel_loop3A_112] : memref<512x50xf32, #tpu.memory_space<vmem>> -> memref<1x50xf32, #tpu.memory_space<vmem>>
      %parallel_loop3A_114 = tpu.memref_squeeze %parallel_loop3A_113 : memref<1x50xf32, #tpu.memory_space<vmem>> -> memref<50xf32, #tpu.memory_space<vmem>>
      %parallel_loop3A_115 = arith.constant 0 : i32
      %parallel_loop3A_116 = tpu.memref_slice %arg2[%parallel_loop3A_107, %parallel_loop3A_115] : memref<1000000x50xf32, #tpu.memory_space<hbm>> -> memref<1x50xf32, #tpu.memory_space<hbm>>
      %parallel_loop3A_117 = tpu.memref_squeeze %parallel_loop3A_116 : memref<1x50xf32, #tpu.memory_space<hbm>> -> memref<50xf32, #tpu.memory_space<hbm>>
      %parallel_loop3A_118 = arith.constant 0 : i32
      %parallel_loop3A_119 = tpu.memref_slice %arg6[%parallel_loop3A_111, %parallel_loop3A_118] : memref<512x50xf32, #tpu.memory_space<vmem>> -> memref<1x50xf32, #tpu.memory_space<vmem>>
      %parallel_loop3A_120 = tpu.memref_squeeze %parallel_loop3A_119 : memref<1x50xf32, #tpu.memory_space<vmem>> -> memref<50xf32, #tpu.memory_space<vmem>>
      %parallel_loop3A_121 = arith.constant 0 : i32
      %parallel_loop3A_122 = tpu.memref_slice %arg2[%parallel_loop3A_107, %parallel_loop3A_121] : memref<1000000x50xf32, #tpu.memory_space<hbm>> -> memref<1x50xf32, #tpu.memory_space<hbm>>
      %parallel_loop3A_123 = tpu.memref_squeeze %parallel_loop3A_122 : memref<1x50xf32, #tpu.memory_space<hbm>> -> memref<50xf32, #tpu.memory_space<hbm>>
      tpu.enqueue_dma source(%parallel_loop3A_123 : memref<50xf32, #tpu.memory_space<hbm>>) target(%parallel_loop3A_120 : memref<50xf32, #tpu.memory_space<vmem>>) target_semaphore(%arg12 : memref<!tpu.dma_semaphore, #tpu.memory_space<semaphore_mem>>)
      %parallel_loop3A_124 = vector.extract_strided_slice %parallel_loop3A_15 {offsets = [6], sizes = [1], strides = [1]} : vector<16xi32> to vector<1xi32>
      %parallel_loop3A_125 = vector.extract %parallel_loop3A_124[0] : i32 from vector<1xi32>
      %parallel_loop3A_126 = arith.constant 16 : i32
      %parallel_loop3A_127 = arith.muli %parallel_loop3A_10, %parallel_loop3A_126 : i32
      %parallel_loop3A_128 = arith.constant 6 : i32
      %parallel_loop3A_129 = arith.addi %parallel_loop3A_127, %parallel_loop3A_128 : i32
      %parallel_loop3A_130 = arith.constant 0 : i32
      %parallel_loop3A_131 = tpu.memref_slice %arg6[%parallel_loop3A_129, %parallel_loop3A_130] : memref<512x50xf32, #tpu.memory_space<vmem>> -> memref<1x50xf32, #tpu.memory_space<vmem>>
      %parallel_loop3A_132 = tpu.memref_squeeze %parallel_loop3A_131 : memref<1x50xf32, #tpu.memory_space<vmem>> -> memref<50xf32, #tpu.memory_space<vmem>>
      %parallel_loop3A_133 = arith.constant 0 : i32
      %parallel_loop3A_134 = tpu.memref_slice %arg2[%parallel_loop3A_125, %parallel_loop3A_133] : memref<1000000x50xf32, #tpu.memory_space<hbm>> -> memref<1x50xf32, #tpu.memory_space<hbm>>
      %parallel_loop3A_135 = tpu.memref_squeeze %parallel_loop3A_134 : memref<1x50xf32, #tpu.memory_space<hbm>> -> memref<50xf32, #tpu.memory_space<hbm>>
      %parallel_loop3A_136 = arith.constant 0 : i32
      %parallel_loop3A_137 = tpu.memref_slice %arg6[%parallel_loop3A_129, %parallel_loop3A_136] : memref<512x50xf32, #tpu.memory_space<vmem>> -> memref<1x50xf32, #tpu.memory_space<vmem>>
      %parallel_loop3A_138 = tpu.memref_squeeze %parallel_loop3A_137 : memref<1x50xf32, #tpu.memory_space<vmem>> -> memref<50xf32, #tpu.memory_space<vmem>>
      %parallel_loop3A_139 = arith.constant 0 : i32
      %parallel_loop3A_140 = tpu.memref_slice %arg2[%parallel_loop3A_125, %parallel_loop3A_139] : memref<1000000x50xf32, #tpu.memory_space<hbm>> -> memref<1x50xf32, #tpu.memory_space<hbm>>
      %parallel_loop3A_141 = tpu.memref_squeeze %parallel_loop3A_140 : memref<1x50xf32, #tpu.memory_space<hbm>> -> memref<50xf32, #tpu.memory_space<hbm>>
      tpu.enqueue_dma source(%parallel_loop3A_141 : memref<50xf32, #tpu.memory_space<hbm>>) target(%parallel_loop3A_138 : memref<50xf32, #tpu.memory_space<vmem>>) target_semaphore(%arg13 : memref<!tpu.dma_semaphore, #tpu.memory_space<semaphore_mem>>)
      %parallel_loop3A_142 = vector.extract_strided_slice %parallel_loop3A_15 {offsets = [7], sizes = [1], strides = [1]} : vector<16xi32> to vector<1xi32>
      %parallel_loop3A_143 = vector.extract %parallel_loop3A_142[0] : i32 from vector<1xi32>
      %parallel_loop3A_144 = arith.constant 16 : i32
      %parallel_loop3A_145 = arith.muli %parallel_loop3A_10, %parallel_loop3A_144 : i32
      %parallel_loop3A_146 = arith.constant 7 : i32
      %parallel_loop3A_147 = arith.addi %parallel_loop3A_145, %parallel_loop3A_146 : i32
      %parallel_loop3A_148 = arith.constant 0 : i32
      %parallel_loop3A_149 = tpu.memref_slice %arg6[%parallel_loop3A_147, %parallel_loop3A_148] : memref<512x50xf32, #tpu.memory_space<vmem>> -> memref<1x50xf32, #tpu.memory_space<vmem>>
      %parallel_loop3A_150 = tpu.memref_squeeze %parallel_loop3A_149 : memref<1x50xf32, #tpu.memory_space<vmem>> -> memref<50xf32, #tpu.memory_space<vmem>>
      %parallel_loop3A_151 = arith.constant 0 : i32
      %parallel_loop3A_152 = tpu.memref_slice %arg2[%parallel_loop3A_143, %parallel_loop3A_151] : memref<1000000x50xf32, #tpu.memory_space<hbm>> -> memref<1x50xf32, #tpu.memory_space<hbm>>
      %parallel_loop3A_153 = tpu.memref_squeeze %parallel_loop3A_152 : memref<1x50xf32, #tpu.memory_space<hbm>> -> memref<50xf32, #tpu.memory_space<hbm>>
      %parallel_loop3A_154 = arith.constant 0 : i32
      %parallel_loop3A_155 = tpu.memref_slice %arg6[%parallel_loop3A_147, %parallel_loop3A_154] : memref<512x50xf32, #tpu.memory_space<vmem>> -> memref<1x50xf32, #tpu.memory_space<vmem>>
      %parallel_loop3A_156 = tpu.memref_squeeze %parallel_loop3A_155 : memref<1x50xf32, #tpu.memory_space<vmem>> -> memref<50xf32, #tpu.memory_space<vmem>>
      %parallel_loop3A_157 = arith.constant 0 : i32
      %parallel_loop3A_158 = tpu.memref_slice %arg2[%parallel_loop3A_143, %parallel_loop3A_157] : memref<1000000x50xf32, #tpu.memory_space<hbm>> -> memref<1x50xf32, #tpu.memory_space<hbm>>
      %parallel_loop3A_159 = tpu.memref_squeeze %parallel_loop3A_158 : memref<1x50xf32, #tpu.memory_space<hbm>> -> memref<50xf32, #tpu.memory_space<hbm>>
      tpu.enqueue_dma source(%parallel_loop3A_159 : memref<50xf32, #tpu.memory_space<hbm>>) target(%parallel_loop3A_156 : memref<50xf32, #tpu.memory_space<vmem>>) target_semaphore(%arg14 : memref<!tpu.dma_semaphore, #tpu.memory_space<semaphore_mem>>)
      %parallel_loop3A_160 = vector.extract_strided_slice %parallel_loop3A_15 {offsets = [8], sizes = [1], strides = [1]} : vector<16xi32> to vector<1xi32>
      %parallel_loop3A_161 = vector.extract %parallel_loop3A_160[0] : i32 from vector<1xi32>
      %parallel_loop3A_162 = arith.constant 16 : i32
      %parallel_loop3A_163 = arith.muli %parallel_loop3A_10, %parallel_loop3A_162 : i32
      %parallel_loop3A_164 = arith.constant 8 : i32
      %parallel_loop3A_165 = arith.addi %parallel_loop3A_163, %parallel_loop3A_164 : i32
      %parallel_loop3A_166 = arith.constant 0 : i32
      %parallel_loop3A_167 = tpu.memref_slice %arg6[%parallel_loop3A_165, %parallel_loop3A_166] : memref<512x50xf32, #tpu.memory_space<vmem>> -> memref<1x50xf32, #tpu.memory_space<vmem>>
      %parallel_loop3A_168 = tpu.memref_squeeze %parallel_loop3A_167 : memref<1x50xf32, #tpu.memory_space<vmem>> -> memref<50xf32, #tpu.memory_space<vmem>>
      %parallel_loop3A_169 = arith.constant 0 : i32
      %parallel_loop3A_170 = tpu.memref_slice %arg2[%parallel_loop3A_161, %parallel_loop3A_169] : memref<1000000x50xf32, #tpu.memory_space<hbm>> -> memref<1x50xf32, #tpu.memory_space<hbm>>
      %parallel_loop3A_171 = tpu.memref_squeeze %parallel_loop3A_170 : memref<1x50xf32, #tpu.memory_space<hbm>> -> memref<50xf32, #tpu.memory_space<hbm>>
      %parallel_loop3A_172 = arith.constant 0 : i32
      %parallel_loop3A_173 = tpu.memref_slice %arg6[%parallel_loop3A_165, %parallel_loop3A_172] : memref<512x50xf32, #tpu.memory_space<vmem>> -> memref<1x50xf32, #tpu.memory_space<vmem>>
      %parallel_loop3A_174 = tpu.memref_squeeze %parallel_loop3A_173 : memref<1x50xf32, #tpu.memory_space<vmem>> -> memref<50xf32, #tpu.memory_space<vmem>>
      %parallel_loop3A_175 = arith.constant 0 : i32
      %parallel_loop3A_176 = tpu.memref_slice %arg2[%parallel_loop3A_161, %parallel_loop3A_175] : memref<1000000x50xf32, #tpu.memory_space<hbm>> -> memref<1x50xf32, #tpu.memory_space<hbm>>
      %parallel_loop3A_177 = tpu.memref_squeeze %parallel_loop3A_176 : memref<1x50xf32, #tpu.memory_space<hbm>> -> memref<50xf32, #tpu.memory_space<hbm>>
      tpu.enqueue_dma source(%parallel_loop3A_177 : memref<50xf32, #tpu.memory_space<hbm>>) target(%parallel_loop3A_174 : memref<50xf32, #tpu.memory_space<vmem>>) target_semaphore(%arg7 : memref<!tpu.dma_semaphore, #tpu.memory_space<semaphore_mem>>)
      %parallel_loop3A_178 = vector.extract_strided_slice %parallel_loop3A_15 {offsets = [9], sizes = [1], strides = [1]} : vector<16xi32> to vector<1xi32>
      %parallel_loop3A_179 = vector.extract %parallel_loop3A_178[0] : i32 from vector<1xi32>
      %parallel_loop3A_180 = arith.constant 16 : i32
      %parallel_loop3A_181 = arith.muli %parallel_loop3A_10, %parallel_loop3A_180 : i32
      %parallel_loop3A_182 = arith.constant 9 : i32
      %parallel_loop3A_183 = arith.addi %parallel_loop3A_181, %parallel_loop3A_182 : i32
      %parallel_loop3A_184 = arith.constant 0 : i32
      %parallel_loop3A_185 = tpu.memref_slice %arg6[%parallel_loop3A_183, %parallel_loop3A_184] : memref<512x50xf32, #tpu.memory_space<vmem>> -> memref<1x50xf32, #tpu.memory_space<vmem>>
      %parallel_loop3A_186 = tpu.memref_squeeze %parallel_loop3A_185 : memref<1x50xf32, #tpu.memory_space<vmem>> -> memref<50xf32, #tpu.memory_space<vmem>>
      %parallel_loop3A_187 = arith.constant 0 : i32
      %parallel_loop3A_188 = tpu.memref_slice %arg2[%parallel_loop3A_179, %parallel_loop3A_187] : memref<1000000x50xf32, #tpu.memory_space<hbm>> -> memref<1x50xf32, #tpu.memory_space<hbm>>
      %parallel_loop3A_189 = tpu.memref_squeeze %parallel_loop3A_188 : memref<1x50xf32, #tpu.memory_space<hbm>> -> memref<50xf32, #tpu.memory_space<hbm>>
      %parallel_loop3A_190 = arith.constant 0 : i32
      %parallel_loop3A_191 = tpu.memref_slice %arg6[%parallel_loop3A_183, %parallel_loop3A_190] : memref<512x50xf32, #tpu.memory_space<vmem>> -> memref<1x50xf32, #tpu.memory_space<vmem>>
      %parallel_loop3A_192 = tpu.memref_squeeze %parallel_loop3A_191 : memref<1x50xf32, #tpu.memory_space<vmem>> -> memref<50xf32, #tpu.memory_space<vmem>>
      %parallel_loop3A_193 = arith.constant 0 : i32
      %parallel_loop3A_194 = tpu.memref_slice %arg2[%parallel_loop3A_179, %parallel_loop3A_193] : memref<1000000x50xf32, #tpu.memory_space<hbm>> -> memref<1x50xf32, #tpu.memory_space<hbm>>
      %parallel_loop3A_195 = tpu.memref_squeeze %parallel_loop3A_194 : memref<1x50xf32, #tpu.memory_space<hbm>> -> memref<50xf32, #tpu.memory_space<hbm>>
      tpu.enqueue_dma source(%parallel_loop3A_195 : memref<50xf32, #tpu.memory_space<hbm>>) target(%parallel_loop3A_192 : memref<50xf32, #tpu.memory_space<vmem>>) target_semaphore(%arg8 : memref<!tpu.dma_semaphore, #tpu.memory_space<semaphore_mem>>)
      %parallel_loop3A_196 = vector.extract_strided_slice %parallel_loop3A_15 {offsets = [10], sizes = [1], strides = [1]} : vector<16xi32> to vector<1xi32>
      %parallel_loop3A_197 = vector.extract %parallel_loop3A_196[0] : i32 from vector<1xi32>
      %parallel_loop3A_198 = arith.constant 16 : i32
      %parallel_loop3A_199 = arith.muli %parallel_loop3A_10, %parallel_loop3A_198 : i32
      %parallel_loop3A_200 = arith.constant 10 : i32
      %parallel_loop3A_201 = arith.addi %parallel_loop3A_199, %parallel_loop3A_200 : i32
      %parallel_loop3A_202 = arith.constant 0 : i32
      %parallel_loop3A_203 = tpu.memref_slice %arg6[%parallel_loop3A_201, %parallel_loop3A_202] : memref<512x50xf32, #tpu.memory_space<vmem>> -> memref<1x50xf32, #tpu.memory_space<vmem>>
      %parallel_loop3A_204 = tpu.memref_squeeze %parallel_loop3A_203 : memref<1x50xf32, #tpu.memory_space<vmem>> -> memref<50xf32, #tpu.memory_space<vmem>>
      %parallel_loop3A_205 = arith.constant 0 : i32
      %parallel_loop3A_206 = tpu.memref_slice %arg2[%parallel_loop3A_197, %parallel_loop3A_205] : memref<1000000x50xf32, #tpu.memory_space<hbm>> -> memref<1x50xf32, #tpu.memory_space<hbm>>
      %parallel_loop3A_207 = tpu.memref_squeeze %parallel_loop3A_206 : memref<1x50xf32, #tpu.memory_space<hbm>> -> memref<50xf32, #tpu.memory_space<hbm>>
      %parallel_loop3A_208 = arith.constant 0 : i32
      %parallel_loop3A_209 = tpu.memref_slice %arg6[%parallel_loop3A_201, %parallel_loop3A_208] : memref<512x50xf32, #tpu.memory_space<vmem>> -> memref<1x50xf32, #tpu.memory_space<vmem>>
      %parallel_loop3A_210 = tpu.memref_squeeze %parallel_loop3A_209 : memref<1x50xf32, #tpu.memory_space<vmem>> -> memref<50xf32, #tpu.memory_space<vmem>>
      %parallel_loop3A_211 = arith.constant 0 : i32
      %parallel_loop3A_212 = tpu.memref_slice %arg2[%parallel_loop3A_197, %parallel_loop3A_211] : memref<1000000x50xf32, #tpu.memory_space<hbm>> -> memref<1x50xf32, #tpu.memory_space<hbm>>
      %parallel_loop3A_213 = tpu.memref_squeeze %parallel_loop3A_212 : memref<1x50xf32, #tpu.memory_space<hbm>> -> memref<50xf32, #tpu.memory_space<hbm>>
      tpu.enqueue_dma source(%parallel_loop3A_213 : memref<50xf32, #tpu.memory_space<hbm>>) target(%parallel_loop3A_210 : memref<50xf32, #tpu.memory_space<vmem>>) target_semaphore(%arg9 : memref<!tpu.dma_semaphore, #tpu.memory_space<semaphore_mem>>)
      %parallel_loop3A_214 = vector.extract_strided_slice %parallel_loop3A_15 {offsets = [11], sizes = [1], strides = [1]} : vector<16xi32> to vector<1xi32>
      %parallel_loop3A_215 = vector.extract %parallel_loop3A_214[0] : i32 from vector<1xi32>
      %parallel_loop3A_216 = arith.constant 16 : i32
      %parallel_loop3A_217 = arith.muli %parallel_loop3A_10, %parallel_loop3A_216 : i32
      %parallel_loop3A_218 = arith.constant 11 : i32
      %parallel_loop3A_219 = arith.addi %parallel_loop3A_217, %parallel_loop3A_218 : i32
      %parallel_loop3A_220 = arith.constant 0 : i32
      %parallel_loop3A_221 = tpu.memref_slice %arg6[%parallel_loop3A_219, %parallel_loop3A_220] : memref<512x50xf32, #tpu.memory_space<vmem>> -> memref<1x50xf32, #tpu.memory_space<vmem>>
      %parallel_loop3A_222 = tpu.memref_squeeze %parallel_loop3A_221 : memref<1x50xf32, #tpu.memory_space<vmem>> -> memref<50xf32, #tpu.memory_space<vmem>>
      %parallel_loop3A_223 = arith.constant 0 : i32
      %parallel_loop3A_224 = tpu.memref_slice %arg2[%parallel_loop3A_215, %parallel_loop3A_223] : memref<1000000x50xf32, #tpu.memory_space<hbm>> -> memref<1x50xf32, #tpu.memory_space<hbm>>
      %parallel_loop3A_225 = tpu.memref_squeeze %parallel_loop3A_224 : memref<1x50xf32, #tpu.memory_space<hbm>> -> memref<50xf32, #tpu.memory_space<hbm>>
      %parallel_loop3A_226 = arith.constant 0 : i32
      %parallel_loop3A_227 = tpu.memref_slice %arg6[%parallel_loop3A_219, %parallel_loop3A_226] : memref<512x50xf32, #tpu.memory_space<vmem>> -> memref<1x50xf32, #tpu.memory_space<vmem>>
      %parallel_loop3A_228 = tpu.memref_squeeze %parallel_loop3A_227 : memref<1x50xf32, #tpu.memory_space<vmem>> -> memref<50xf32, #tpu.memory_space<vmem>>
      %parallel_loop3A_229 = arith.constant 0 : i32
      %parallel_loop3A_230 = tpu.memref_slice %arg2[%parallel_loop3A_215, %parallel_loop3A_229] : memref<1000000x50xf32, #tpu.memory_space<hbm>> -> memref<1x50xf32, #tpu.memory_space<hbm>>
      %parallel_loop3A_231 = tpu.memref_squeeze %parallel_loop3A_230 : memref<1x50xf32, #tpu.memory_space<hbm>> -> memref<50xf32, #tpu.memory_space<hbm>>
      tpu.enqueue_dma source(%parallel_loop3A_231 : memref<50xf32, #tpu.memory_space<hbm>>) target(%parallel_loop3A_228 : memref<50xf32, #tpu.memory_space<vmem>>) target_semaphore(%arg10 : memref<!tpu.dma_semaphore, #tpu.memory_space<semaphore_mem>>)
      %parallel_loop3A_232 = vector.extract_strided_slice %parallel_loop3A_15 {offsets = [12], sizes = [1], strides = [1]} : vector<16xi32> to vector<1xi32>
      %parallel_loop3A_233 = vector.extract %parallel_loop3A_232[0] : i32 from vector<1xi32>
      %parallel_loop3A_234 = arith.constant 16 : i32
      %parallel_loop3A_235 = arith.muli %parallel_loop3A_10, %parallel_loop3A_234 : i32
      %parallel_loop3A_236 = arith.constant 12 : i32
      %parallel_loop3A_237 = arith.addi %parallel_loop3A_235, %parallel_loop3A_236 : i32
      %parallel_loop3A_238 = arith.constant 0 : i32
      %parallel_loop3A_239 = tpu.memref_slice %arg6[%parallel_loop3A_237, %parallel_loop3A_238] : memref<512x50xf32, #tpu.memory_space<vmem>> -> memref<1x50xf32, #tpu.memory_space<vmem>>
      %parallel_loop3A_240 = tpu.memref_squeeze %parallel_loop3A_239 : memref<1x50xf32, #tpu.memory_space<vmem>> -> memref<50xf32, #tpu.memory_space<vmem>>
      %parallel_loop3A_241 = arith.constant 0 : i32
      %parallel_loop3A_242 = tpu.memref_slice %arg2[%parallel_loop3A_233, %parallel_loop3A_241] : memref<1000000x50xf32, #tpu.memory_space<hbm>> -> memref<1x50xf32, #tpu.memory_space<hbm>>
      %parallel_loop3A_243 = tpu.memref_squeeze %parallel_loop3A_242 : memref<1x50xf32, #tpu.memory_space<hbm>> -> memref<50xf32, #tpu.memory_space<hbm>>
      %parallel_loop3A_244 = arith.constant 0 : i32
      %parallel_loop3A_245 = tpu.memref_slice %arg6[%parallel_loop3A_237, %parallel_loop3A_244] : memref<512x50xf32, #tpu.memory_space<vmem>> -> memref<1x50xf32, #tpu.memory_space<vmem>>
      %parallel_loop3A_246 = tpu.memref_squeeze %parallel_loop3A_245 : memref<1x50xf32, #tpu.memory_space<vmem>> -> memref<50xf32, #tpu.memory_space<vmem>>
      %parallel_loop3A_247 = arith.constant 0 : i32
      %parallel_loop3A_248 = tpu.memref_slice %arg2[%parallel_loop3A_233, %parallel_loop3A_247] : memref<1000000x50xf32, #tpu.memory_space<hbm>> -> memref<1x50xf32, #tpu.memory_space<hbm>>
      %parallel_loop3A_249 = tpu.memref_squeeze %parallel_loop3A_248 : memref<1x50xf32, #tpu.memory_space<hbm>> -> memref<50xf32, #tpu.memory_space<hbm>>
      tpu.enqueue_dma source(%parallel_loop3A_249 : memref<50xf32, #tpu.memory_space<hbm>>) target(%parallel_loop3A_246 : memref<50xf32, #tpu.memory_space<vmem>>) target_semaphore(%arg11 : memref<!tpu.dma_semaphore, #tpu.memory_space<semaphore_mem>>)
      %parallel_loop3A_250 = vector.extract_strided_slice %parallel_loop3A_15 {offsets = [13], sizes = [1], strides = [1]} : vector<16xi32> to vector<1xi32>
      %parallel_loop3A_251 = vector.extract %parallel_loop3A_250[0] : i32 from vector<1xi32>
      %parallel_loop3A_252 = arith.constant 16 : i32
      %parallel_loop3A_253 = arith.muli %parallel_loop3A_10, %parallel_loop3A_252 : i32
      %parallel_loop3A_254 = arith.constant 13 : i32
      %parallel_loop3A_255 = arith.addi %parallel_loop3A_253, %parallel_loop3A_254 : i32
      %parallel_loop3A_256 = arith.constant 0 : i32
      %parallel_loop3A_257 = tpu.memref_slice %arg6[%parallel_loop3A_255, %parallel_loop3A_256] : memref<512x50xf32, #tpu.memory_space<vmem>> -> memref<1x50xf32, #tpu.memory_space<vmem>>
      %parallel_loop3A_258 = tpu.memref_squeeze %parallel_loop3A_257 : memref<1x50xf32, #tpu.memory_space<vmem>> -> memref<50xf32, #tpu.memory_space<vmem>>
      %parallel_loop3A_259 = arith.constant 0 : i32
      %parallel_loop3A_260 = tpu.memref_slice %arg2[%parallel_loop3A_251, %parallel_loop3A_259] : memref<1000000x50xf32, #tpu.memory_space<hbm>> -> memref<1x50xf32, #tpu.memory_space<hbm>>
      %parallel_loop3A_261 = tpu.memref_squeeze %parallel_loop3A_260 : memref<1x50xf32, #tpu.memory_space<hbm>> -> memref<50xf32, #tpu.memory_space<hbm>>
      %parallel_loop3A_262 = arith.constant 0 : i32
      %parallel_loop3A_263 = tpu.memref_slice %arg6[%parallel_loop3A_255, %parallel_loop3A_262] : memref<512x50xf32, #tpu.memory_space<vmem>> -> memref<1x50xf32, #tpu.memory_space<vmem>>
      %parallel_loop3A_264 = tpu.memref_squeeze %parallel_loop3A_263 : memref<1x50xf32, #tpu.memory_space<vmem>> -> memref<50xf32, #tpu.memory_space<vmem>>
      %parallel_loop3A_265 = arith.constant 0 : i32
      %parallel_loop3A_266 = tpu.memref_slice %arg2[%parallel_loop3A_251, %parallel_loop3A_265] : memref<1000000x50xf32, #tpu.memory_space<hbm>> -> memref<1x50xf32, #tpu.memory_space<hbm>>
      %parallel_loop3A_267 = tpu.memref_squeeze %parallel_loop3A_266 : memref<1x50xf32, #tpu.memory_space<hbm>> -> memref<50xf32, #tpu.memory_space<hbm>>
      tpu.enqueue_dma source(%parallel_loop3A_267 : memref<50xf32, #tpu.memory_space<hbm>>) target(%parallel_loop3A_264 : memref<50xf32, #tpu.memory_space<vmem>>) target_semaphore(%arg12 : memref<!tpu.dma_semaphore, #tpu.memory_space<semaphore_mem>>)
      %parallel_loop3A_268 = vector.extract_strided_slice %parallel_loop3A_15 {offsets = [14], sizes = [1], strides = [1]} : vector<16xi32> to vector<1xi32>
      %parallel_loop3A_269 = vector.extract %parallel_loop3A_268[0] : i32 from vector<1xi32>
      %parallel_loop3A_270 = arith.constant 16 : i32
      %parallel_loop3A_271 = arith.muli %parallel_loop3A_10, %parallel_loop3A_270 : i32
      %parallel_loop3A_272 = arith.constant 14 : i32
      %parallel_loop3A_273 = arith.addi %parallel_loop3A_271, %parallel_loop3A_272 : i32
      %parallel_loop3A_274 = arith.constant 0 : i32
      %parallel_loop3A_275 = tpu.memref_slice %arg6[%parallel_loop3A_273, %parallel_loop3A_274] : memref<512x50xf32, #tpu.memory_space<vmem>> -> memref<1x50xf32, #tpu.memory_space<vmem>>
      %parallel_loop3A_276 = tpu.memref_squeeze %parallel_loop3A_275 : memref<1x50xf32, #tpu.memory_space<vmem>> -> memref<50xf32, #tpu.memory_space<vmem>>
      %parallel_loop3A_277 = arith.constant 0 : i32
      %parallel_loop3A_278 = tpu.memref_slice %arg2[%parallel_loop3A_269, %parallel_loop3A_277] : memref<1000000x50xf32, #tpu.memory_space<hbm>> -> memref<1x50xf32, #tpu.memory_space<hbm>>
      %parallel_loop3A_279 = tpu.memref_squeeze %parallel_loop3A_278 : memref<1x50xf32, #tpu.memory_space<hbm>> -> memref<50xf32, #tpu.memory_space<hbm>>
      %parallel_loop3A_280 = arith.constant 0 : i32
      %parallel_loop3A_281 = tpu.memref_slice %arg6[%parallel_loop3A_273, %parallel_loop3A_280] : memref<512x50xf32, #tpu.memory_space<vmem>> -> memref<1x50xf32, #tpu.memory_space<vmem>>
      %parallel_loop3A_282 = tpu.memref_squeeze %parallel_loop3A_281 : memref<1x50xf32, #tpu.memory_space<vmem>> -> memref<50xf32, #tpu.memory_space<vmem>>
      %parallel_loop3A_283 = arith.constant 0 : i32
      %parallel_loop3A_284 = tpu.memref_slice %arg2[%parallel_loop3A_269, %parallel_loop3A_283] : memref<1000000x50xf32, #tpu.memory_space<hbm>> -> memref<1x50xf32, #tpu.memory_space<hbm>>
      %parallel_loop3A_285 = tpu.memref_squeeze %parallel_loop3A_284 : memref<1x50xf32, #tpu.memory_space<hbm>> -> memref<50xf32, #tpu.memory_space<hbm>>
      tpu.enqueue_dma source(%parallel_loop3A_285 : memref<50xf32, #tpu.memory_space<hbm>>) target(%parallel_loop3A_282 : memref<50xf32, #tpu.memory_space<vmem>>) target_semaphore(%arg13 : memref<!tpu.dma_semaphore, #tpu.memory_space<semaphore_mem>>)
      %parallel_loop3A_286 = vector.extract_strided_slice %parallel_loop3A_15 {offsets = [15], sizes = [1], strides = [1]} : vector<16xi32> to vector<1xi32>
      %parallel_loop3A_287 = vector.extract %parallel_loop3A_286[0] : i32 from vector<1xi32>
      %parallel_loop3A_288 = arith.constant 16 : i32
      %parallel_loop3A_289 = arith.muli %parallel_loop3A_10, %parallel_loop3A_288 : i32
      %parallel_loop3A_290 = arith.constant 15 : i32
      %parallel_loop3A_291 = arith.addi %parallel_loop3A_289, %parallel_loop3A_290 : i32
      %parallel_loop3A_292 = arith.constant 0 : i32
      %parallel_loop3A_293 = tpu.memref_slice %arg6[%parallel_loop3A_291, %parallel_loop3A_292] : memref<512x50xf32, #tpu.memory_space<vmem>> -> memref<1x50xf32, #tpu.memory_space<vmem>>
      %parallel_loop3A_294 = tpu.memref_squeeze %parallel_loop3A_293 : memref<1x50xf32, #tpu.memory_space<vmem>> -> memref<50xf32, #tpu.memory_space<vmem>>
      %parallel_loop3A_295 = arith.constant 0 : i32
      %parallel_loop3A_296 = tpu.memref_slice %arg2[%parallel_loop3A_287, %parallel_loop3A_295] : memref<1000000x50xf32, #tpu.memory_space<hbm>> -> memref<1x50xf32, #tpu.memory_space<hbm>>
      %parallel_loop3A_297 = tpu.memref_squeeze %parallel_loop3A_296 : memref<1x50xf32, #tpu.memory_space<hbm>> -> memref<50xf32, #tpu.memory_space<hbm>>
      %parallel_loop3A_298 = arith.constant 0 : i32
      %parallel_loop3A_299 = tpu.memref_slice %arg6[%parallel_loop3A_291, %parallel_loop3A_298] : memref<512x50xf32, #tpu.memory_space<vmem>> -> memref<1x50xf32, #tpu.memory_space<vmem>>
      %parallel_loop3A_300 = tpu.memref_squeeze %parallel_loop3A_299 : memref<1x50xf32, #tpu.memory_space<vmem>> -> memref<50xf32, #tpu.memory_space<vmem>>
      %parallel_loop3A_301 = arith.constant 0 : i32
      %parallel_loop3A_302 = tpu.memref_slice %arg2[%parallel_loop3A_287, %parallel_loop3A_301] : memref<1000000x50xf32, #tpu.memory_space<hbm>> -> memref<1x50xf32, #tpu.memory_space<hbm>>
      %parallel_loop3A_303 = tpu.memref_squeeze %parallel_loop3A_302 : memref<1x50xf32, #tpu.memory_space<hbm>> -> memref<50xf32, #tpu.memory_space<hbm>>
      tpu.enqueue_dma source(%parallel_loop3A_303 : memref<50xf32, #tpu.memory_space<hbm>>) target(%parallel_loop3A_300 : memref<50xf32, #tpu.memory_space<vmem>>) target_semaphore(%arg14 : memref<!tpu.dma_semaphore, #tpu.memory_space<semaphore_mem>>)
    } {sc.loop_unroll_factor = 4 : i64, sc.parallel_access}
    %scan3A = arith.constant 0 : i32
    %scan3A_5 = arith.constant 0 : i32
    %scan3A_6 = arith.constant 64 : i32
    %scan3A_7 = arith.addi %scan3A_5, %scan3A_6 : i32
    %scan3A_8 = arith.constant 1 : i32
    scf.for %scan3A_10 = %scan3A_5 to %scan3A_7 step %scan3A_8  : i32 {
      %dma_wait3A = arith.constant 0 : i32
      %dma_wait3A_11 = arith.constant 0 : i32
      %dma_wait3A_12 = arith.constant 0 : i32
      %dma_wait3A_13 = tpu.memref_slice %arg6[%dma_wait3A_11, %dma_wait3A_12] : memref<512x50xf32, #tpu.memory_space<vmem>> -> memref<1x50xf32, #tpu.memory_space<vmem>>
      %dma_wait3A_14 = tpu.memref_squeeze %dma_wait3A_13 : memref<1x50xf32, #tpu.memory_space<vmem>> -> memref<50xf32, #tpu.memory_space<vmem>>
      %dma_wait3A_15 = arith.constant 0 : i32
      %dma_wait3A_16 = tpu.memref_slice %arg2[%dma_wait3A, %dma_wait3A_15] : memref<1000000x50xf32, #tpu.memory_space<hbm>> -> memref<1x50xf32, #tpu.memory_space<hbm>>
      %dma_wait3A_17 = tpu.memref_squeeze %dma_wait3A_16 : memref<1x50xf32, #tpu.memory_space<hbm>> -> memref<50xf32, #tpu.memory_space<hbm>>
      %dma_wait3A_18 = arith.constant 0 : i32
      %dma_wait3A_19 = tpu.memref_slice %arg6[%dma_wait3A_11, %dma_wait3A_18] : memref<512x50xf32, #tpu.memory_space<vmem>> -> memref<1x50xf32, #tpu.memory_space<vmem>>
      %dma_wait3A_20 = tpu.memref_squeeze %dma_wait3A_19 : memref<1x50xf32, #tpu.memory_space<vmem>> -> memref<50xf32, #tpu.memory_space<vmem>>
      %dma_wait3A_21 = arith.constant 0 : i32
      %dma_wait3A_22 = tpu.memref_slice %arg2[%dma_wait3A, %dma_wait3A_21] : memref<1000000x50xf32, #tpu.memory_space<hbm>> -> memref<1x50xf32, #tpu.memory_space<hbm>>
      %dma_wait3A_23 = tpu.memref_squeeze %dma_wait3A_22 : memref<1x50xf32, #tpu.memory_space<hbm>> -> memref<50xf32, #tpu.memory_space<hbm>>
      tpu.wait_dma2 semaphore(%arg7 : memref<!tpu.dma_semaphore, #tpu.memory_space<semaphore_mem>>) src(%dma_wait3A_23 : memref<50xf32, #tpu.memory_space<hbm>>) dst(%dma_wait3A_20 : memref<50xf32, #tpu.memory_space<vmem>>)
      %dma_wait3A_24 = arith.constant 0 : i32
      %dma_wait3A_25 = arith.constant 0 : i32
      %dma_wait3A_26 = arith.constant 0 : i32
      %dma_wait3A_27 = tpu.memref_slice %arg6[%dma_wait3A_25, %dma_wait3A_26] : memref<512x50xf32, #tpu.memory_space<vmem>> -> memref<1x50xf32, #tpu.memory_space<vmem>>
      %dma_wait3A_28 = tpu.memref_squeeze %dma_wait3A_27 : memref<1x50xf32, #tpu.memory_space<vmem>> -> memref<50xf32, #tpu.memory_space<vmem>>
      %dma_wait3A_29 = arith.constant 0 : i32
      %dma_wait3A_30 = tpu.memref_slice %arg2[%dma_wait3A_24, %dma_wait3A_29] : memref<1000000x50xf32, #tpu.memory_space<hbm>> -> memref<1x50xf32, #tpu.memory_space<hbm>>
      %dma_wait3A_31 = tpu.memref_squeeze %dma_wait3A_30 : memref<1x50xf32, #tpu.memory_space<hbm>> -> memref<50xf32, #tpu.memory_space<hbm>>
      %dma_wait3A_32 = arith.constant 0 : i32
      %dma_wait3A_33 = tpu.memref_slice %arg6[%dma_wait3A_25, %dma_wait3A_32] : memref<512x50xf32, #tpu.memory_space<vmem>> -> memref<1x50xf32, #tpu.memory_space<vmem>>
      %dma_wait3A_34 = tpu.memref_squeeze %dma_wait3A_33 : memref<1x50xf32, #tpu.memory_space<vmem>> -> memref<50xf32, #tpu.memory_space<vmem>>
      %dma_wait3A_35 = arith.constant 0 : i32
      %dma_wait3A_36 = tpu.memref_slice %arg2[%dma_wait3A_24, %dma_wait3A_35] : memref<1000000x50xf32, #tpu.memory_space<hbm>> -> memref<1x50xf32, #tpu.memory_space<hbm>>
      %dma_wait3A_37 = tpu.memref_squeeze %dma_wait3A_36 : memref<1x50xf32, #tpu.memory_space<hbm>> -> memref<50xf32, #tpu.memory_space<hbm>>
      tpu.wait_dma2 semaphore(%arg8 : memref<!tpu.dma_semaphore, #tpu.memory_space<semaphore_mem>>) src(%dma_wait3A_37 : memref<50xf32, #tpu.memory_space<hbm>>) dst(%dma_wait3A_34 : memref<50xf32, #tpu.memory_space<vmem>>)
      %dma_wait3A_38 = arith.constant 0 : i32
      %dma_wait3A_39 = arith.constant 0 : i32
      %dma_wait3A_40 = arith.constant 0 : i32
      %dma_wait3A_41 = tpu.memref_slice %arg6[%dma_wait3A_39, %dma_wait3A_40] : memref<512x50xf32, #tpu.memory_space<vmem>> -> memref<1x50xf32, #tpu.memory_space<vmem>>
      %dma_wait3A_42 = tpu.memref_squeeze %dma_wait3A_41 : memref<1x50xf32, #tpu.memory_space<vmem>> -> memref<50xf32, #tpu.memory_space<vmem>>
      %dma_wait3A_43 = arith.constant 0 : i32
      %dma_wait3A_44 = tpu.memref_slice %arg2[%dma_wait3A_38, %dma_wait3A_43] : memref<1000000x50xf32, #tpu.memory_space<hbm>> -> memref<1x50xf32, #tpu.memory_space<hbm>>
      %dma_wait3A_45 = tpu.memref_squeeze %dma_wait3A_44 : memref<1x50xf32, #tpu.memory_space<hbm>> -> memref<50xf32, #tpu.memory_space<hbm>>
      %dma_wait3A_46 = arith.constant 0 : i32
      %dma_wait3A_47 = tpu.memref_slice %arg6[%dma_wait3A_39, %dma_wait3A_46] : memref<512x50xf32, #tpu.memory_space<vmem>> -> memref<1x50xf32, #tpu.memory_space<vmem>>
      %dma_wait3A_48 = tpu.memref_squeeze %dma_wait3A_47 : memref<1x50xf32, #tpu.memory_space<vmem>> -> memref<50xf32, #tpu.memory_space<vmem>>
      %dma_wait3A_49 = arith.constant 0 : i32
      %dma_wait3A_50 = tpu.memref_slice %arg2[%dma_wait3A_38, %dma_wait3A_49] : memref<1000000x50xf32, #tpu.memory_space<hbm>> -> memref<1x50xf32, #tpu.memory_space<hbm>>
      %dma_wait3A_51 = tpu.memref_squeeze %dma_wait3A_50 : memref<1x50xf32, #tpu.memory_space<hbm>> -> memref<50xf32, #tpu.memory_space<hbm>>
      tpu.wait_dma2 semaphore(%arg9 : memref<!tpu.dma_semaphore, #tpu.memory_space<semaphore_mem>>) src(%dma_wait3A_51 : memref<50xf32, #tpu.memory_space<hbm>>) dst(%dma_wait3A_48 : memref<50xf32, #tpu.memory_space<vmem>>)
      %dma_wait3A_52 = arith.constant 0 : i32
      %dma_wait3A_53 = arith.constant 0 : i32
      %dma_wait3A_54 = arith.constant 0 : i32
      %dma_wait3A_55 = tpu.memref_slice %arg6[%dma_wait3A_53, %dma_wait3A_54] : memref<512x50xf32, #tpu.memory_space<vmem>> -> memref<1x50xf32, #tpu.memory_space<vmem>>
      %dma_wait3A_56 = tpu.memref_squeeze %dma_wait3A_55 : memref<1x50xf32, #tpu.memory_space<vmem>> -> memref<50xf32, #tpu.memory_space<vmem>>
      %dma_wait3A_57 = arith.constant 0 : i32
      %dma_wait3A_58 = tpu.memref_slice %arg2[%dma_wait3A_52, %dma_wait3A_57] : memref<1000000x50xf32, #tpu.memory_space<hbm>> -> memref<1x50xf32, #tpu.memory_space<hbm>>
      %dma_wait3A_59 = tpu.memref_squeeze %dma_wait3A_58 : memref<1x50xf32, #tpu.memory_space<hbm>> -> memref<50xf32, #tpu.memory_space<hbm>>
      %dma_wait3A_60 = arith.constant 0 : i32
      %dma_wait3A_61 = tpu.memref_slice %arg6[%dma_wait3A_53, %dma_wait3A_60] : memref<512x50xf32, #tpu.memory_space<vmem>> -> memref<1x50xf32, #tpu.memory_space<vmem>>
      %dma_wait3A_62 = tpu.memref_squeeze %dma_wait3A_61 : memref<1x50xf32, #tpu.memory_space<vmem>> -> memref<50xf32, #tpu.memory_space<vmem>>
      %dma_wait3A_63 = arith.constant 0 : i32
      %dma_wait3A_64 = tpu.memref_slice %arg2[%dma_wait3A_52, %dma_wait3A_63] : memref<1000000x50xf32, #tpu.memory_space<hbm>> -> memref<1x50xf32, #tpu.memory_space<hbm>>
      %dma_wait3A_65 = tpu.memref_squeeze %dma_wait3A_64 : memref<1x50xf32, #tpu.memory_space<hbm>> -> memref<50xf32, #tpu.memory_space<hbm>>
      tpu.wait_dma2 semaphore(%arg10 : memref<!tpu.dma_semaphore, #tpu.memory_space<semaphore_mem>>) src(%dma_wait3A_65 : memref<50xf32, #tpu.memory_space<hbm>>) dst(%dma_wait3A_62 : memref<50xf32, #tpu.memory_space<vmem>>)
      %dma_wait3A_66 = arith.constant 0 : i32
      %dma_wait3A_67 = arith.constant 0 : i32
      %dma_wait3A_68 = arith.constant 0 : i32
      %dma_wait3A_69 = tpu.memref_slice %arg6[%dma_wait3A_67, %dma_wait3A_68] : memref<512x50xf32, #tpu.memory_space<vmem>> -> memref<1x50xf32, #tpu.memory_space<vmem>>
      %dma_wait3A_70 = tpu.memref_squeeze %dma_wait3A_69 : memref<1x50xf32, #tpu.memory_space<vmem>> -> memref<50xf32, #tpu.memory_space<vmem>>
      %dma_wait3A_71 = arith.constant 0 : i32
      %dma_wait3A_72 = tpu.memref_slice %arg2[%dma_wait3A_66, %dma_wait3A_71] : memref<1000000x50xf32, #tpu.memory_space<hbm>> -> memref<1x50xf32, #tpu.memory_space<hbm>>
      %dma_wait3A_73 = tpu.memref_squeeze %dma_wait3A_72 : memref<1x50xf32, #tpu.memory_space<hbm>> -> memref<50xf32, #tpu.memory_space<hbm>>
      %dma_wait3A_74 = arith.constant 0 : i32
      %dma_wait3A_75 = tpu.memref_slice %arg6[%dma_wait3A_67, %dma_wait3A_74] : memref<512x50xf32, #tpu.memory_space<vmem>> -> memref<1x50xf32, #tpu.memory_space<vmem>>
      %dma_wait3A_76 = tpu.memref_squeeze %dma_wait3A_75 : memref<1x50xf32, #tpu.memory_space<vmem>> -> memref<50xf32, #tpu.memory_space<vmem>>
      %dma_wait3A_77 = arith.constant 0 : i32
      %dma_wait3A_78 = tpu.memref_slice %arg2[%dma_wait3A_66, %dma_wait3A_77] : memref<1000000x50xf32, #tpu.memory_space<hbm>> -> memref<1x50xf32, #tpu.memory_space<hbm>>
      %dma_wait3A_79 = tpu.memref_squeeze %dma_wait3A_78 : memref<1x50xf32, #tpu.memory_space<hbm>> -> memref<50xf32, #tpu.memory_space<hbm>>
      tpu.wait_dma2 semaphore(%arg11 : memref<!tpu.dma_semaphore, #tpu.memory_space<semaphore_mem>>) src(%dma_wait3A_79 : memref<50xf32, #tpu.memory_space<hbm>>) dst(%dma_wait3A_76 : memref<50xf32, #tpu.memory_space<vmem>>)
      %dma_wait3A_80 = arith.constant 0 : i32
      %dma_wait3A_81 = arith.constant 0 : i32
      %dma_wait3A_82 = arith.constant 0 : i32
      %dma_wait3A_83 = tpu.memref_slice %arg6[%dma_wait3A_81, %dma_wait3A_82] : memref<512x50xf32, #tpu.memory_space<vmem>> -> memref<1x50xf32, #tpu.memory_space<vmem>>
      %dma_wait3A_84 = tpu.memref_squeeze %dma_wait3A_83 : memref<1x50xf32, #tpu.memory_space<vmem>> -> memref<50xf32, #tpu.memory_space<vmem>>
      %dma_wait3A_85 = arith.constant 0 : i32
      %dma_wait3A_86 = tpu.memref_slice %arg2[%dma_wait3A_80, %dma_wait3A_85] : memref<1000000x50xf32, #tpu.memory_space<hbm>> -> memref<1x50xf32, #tpu.memory_space<hbm>>
      %dma_wait3A_87 = tpu.memref_squeeze %dma_wait3A_86 : memref<1x50xf32, #tpu.memory_space<hbm>> -> memref<50xf32, #tpu.memory_space<hbm>>
      %dma_wait3A_88 = arith.constant 0 : i32
      %dma_wait3A_89 = tpu.memref_slice %arg6[%dma_wait3A_81, %dma_wait3A_88] : memref<512x50xf32, #tpu.memory_space<vmem>> -> memref<1x50xf32, #tpu.memory_space<vmem>>
      %dma_wait3A_90 = tpu.memref_squeeze %dma_wait3A_89 : memref<1x50xf32, #tpu.memory_space<vmem>> -> memref<50xf32, #tpu.memory_space<vmem>>
      %dma_wait3A_91 = arith.constant 0 : i32
      %dma_wait3A_92 = tpu.memref_slice %arg2[%dma_wait3A_80, %dma_wait3A_91] : memref<1000000x50xf32, #tpu.memory_space<hbm>> -> memref<1x50xf32, #tpu.memory_space<hbm>>
      %dma_wait3A_93 = tpu.memref_squeeze %dma_wait3A_92 : memref<1x50xf32, #tpu.memory_space<hbm>> -> memref<50xf32, #tpu.memory_space<hbm>>
      tpu.wait_dma2 semaphore(%arg12 : memref<!tpu.dma_semaphore, #tpu.memory_space<semaphore_mem>>) src(%dma_wait3A_93 : memref<50xf32, #tpu.memory_space<hbm>>) dst(%dma_wait3A_90 : memref<50xf32, #tpu.memory_space<vmem>>)
      %dma_wait3A_94 = arith.constant 0 : i32
      %dma_wait3A_95 = arith.constant 0 : i32
      %dma_wait3A_96 = arith.constant 0 : i32
      %dma_wait3A_97 = tpu.memref_slice %arg6[%dma_wait3A_95, %dma_wait3A_96] : memref<512x50xf32, #tpu.memory_space<vmem>> -> memref<1x50xf32, #tpu.memory_space<vmem>>
      %dma_wait3A_98 = tpu.memref_squeeze %dma_wait3A_97 : memref<1x50xf32, #tpu.memory_space<vmem>> -> memref<50xf32, #tpu.memory_space<vmem>>
      %dma_wait3A_99 = arith.constant 0 : i32
      %dma_wait3A_100 = tpu.memref_slice %arg2[%dma_wait3A_94, %dma_wait3A_99] : memref<1000000x50xf32, #tpu.memory_space<hbm>> -> memref<1x50xf32, #tpu.memory_space<hbm>>
      %dma_wait3A_101 = tpu.memref_squeeze %dma_wait3A_100 : memref<1x50xf32, #tpu.memory_space<hbm>> -> memref<50xf32, #tpu.memory_space<hbm>>
      %dma_wait3A_102 = arith.constant 0 : i32
      %dma_wait3A_103 = tpu.memref_slice %arg6[%dma_wait3A_95, %dma_wait3A_102] : memref<512x50xf32, #tpu.memory_space<vmem>> -> memref<1x50xf32, #tpu.memory_space<vmem>>
      %dma_wait3A_104 = tpu.memref_squeeze %dma_wait3A_103 : memref<1x50xf32, #tpu.memory_space<vmem>> -> memref<50xf32, #tpu.memory_space<vmem>>
      %dma_wait3A_105 = arith.constant 0 : i32
      %dma_wait3A_106 = tpu.memref_slice %arg2[%dma_wait3A_94, %dma_wait3A_105] : memref<1000000x50xf32, #tpu.memory_space<hbm>> -> memref<1x50xf32, #tpu.memory_space<hbm>>
      %dma_wait3A_107 = tpu.memref_squeeze %dma_wait3A_106 : memref<1x50xf32, #tpu.memory_space<hbm>> -> memref<50xf32, #tpu.memory_space<hbm>>
      tpu.wait_dma2 semaphore(%arg13 : memref<!tpu.dma_semaphore, #tpu.memory_space<semaphore_mem>>) src(%dma_wait3A_107 : memref<50xf32, #tpu.memory_space<hbm>>) dst(%dma_wait3A_104 : memref<50xf32, #tpu.memory_space<vmem>>)
      %dma_wait3A_108 = arith.constant 0 : i32
      %dma_wait3A_109 = arith.constant 0 : i32
      %dma_wait3A_110 = arith.constant 0 : i32
      %dma_wait3A_111 = tpu.memref_slice %arg6[%dma_wait3A_109, %dma_wait3A_110] : memref<512x50xf32, #tpu.memory_space<vmem>> -> memref<1x50xf32, #tpu.memory_space<vmem>>
      %dma_wait3A_112 = tpu.memref_squeeze %dma_wait3A_111 : memref<1x50xf32, #tpu.memory_space<vmem>> -> memref<50xf32, #tpu.memory_space<vmem>>
      %dma_wait3A_113 = arith.constant 0 : i32
      %dma_wait3A_114 = tpu.memref_slice %arg2[%dma_wait3A_108, %dma_wait3A_113] : memref<1000000x50xf32, #tpu.memory_space<hbm>> -> memref<1x50xf32, #tpu.memory_space<hbm>>
      %dma_wait3A_115 = tpu.memref_squeeze %dma_wait3A_114 : memref<1x50xf32, #tpu.memory_space<hbm>> -> memref<50xf32, #tpu.memory_space<hbm>>
      %dma_wait3A_116 = arith.constant 0 : i32
      %dma_wait3A_117 = tpu.memref_slice %arg6[%dma_wait3A_109, %dma_wait3A_116] : memref<512x50xf32, #tpu.memory_space<vmem>> -> memref<1x50xf32, #tpu.memory_space<vmem>>
      %dma_wait3A_118 = tpu.memref_squeeze %dma_wait3A_117 : memref<1x50xf32, #tpu.memory_space<vmem>> -> memref<50xf32, #tpu.memory_space<vmem>>
      %dma_wait3A_119 = arith.constant 0 : i32
      %dma_wait3A_120 = tpu.memref_slice %arg2[%dma_wait3A_108, %dma_wait3A_119] : memref<1000000x50xf32, #tpu.memory_space<hbm>> -> memref<1x50xf32, #tpu.memory_space<hbm>>
      %dma_wait3A_121 = tpu.memref_squeeze %dma_wait3A_120 : memref<1x50xf32, #tpu.memory_space<hbm>> -> memref<50xf32, #tpu.memory_space<hbm>>
      tpu.wait_dma2 semaphore(%arg14 : memref<!tpu.dma_semaphore, #tpu.memory_space<semaphore_mem>>) src(%dma_wait3A_121 : memref<50xf32, #tpu.memory_space<hbm>>) dst(%dma_wait3A_118 : memref<50xf32, #tpu.memory_space<vmem>>)
    }
    %scan3A_9 = arith.constant 64 : i32
    "tpu.region"() ({
      %run_scoped3A = tpu.sem_alloc : memref<!tpu.dma_semaphore, #tpu.memory_space<semaphore_mem>>
      %dma_start3A = arith.constant 0 : i32
      %dma_start3A_10 = tpu.memref_slice %arg4[%mul3A_2, %dma_start3A] : memref<16384x50xf32, #tpu.memory_space<hbm>> -> memref<512x50xf32, #tpu.memory_space<hbm>>
      %dma_start3A_11 = arith.constant 0 : i32
      %dma_start3A_12 = tpu.memref_slice %arg4[%mul3A_2, %dma_start3A_11] : memref<16384x50xf32, #tpu.memory_space<hbm>> -> memref<512x50xf32, #tpu.memory_space<hbm>>
      tpu.enqueue_dma source(%arg6 : memref<512x50xf32, #tpu.memory_space<vmem>>) target(%dma_start3A_12 : memref<512x50xf32, #tpu.memory_space<hbm>>) target_semaphore(%run_scoped3A : memref<!tpu.dma_semaphore, #tpu.memory_space<semaphore_mem>>)
      %dma_wait3A = arith.constant 0 : i32
      %dma_wait3A_13 = tpu.memref_slice %arg4[%mul3A_2, %dma_wait3A] : memref<16384x50xf32, #tpu.memory_space<hbm>> -> memref<512x50xf32, #tpu.memory_space<hbm>>
      %dma_wait3A_14 = arith.constant 0 : i32
      %dma_wait3A_15 = tpu.memref_slice %arg4[%mul3A_2, %dma_wait3A_14] : memref<16384x50xf32, #tpu.memory_space<hbm>> -> memref<512x50xf32, #tpu.memory_space<hbm>>
      tpu.wait_dma2 semaphore(%run_scoped3A : memref<!tpu.dma_semaphore, #tpu.memory_space<semaphore_mem>>) src(%arg6 : memref<512x50xf32, #tpu.memory_space<vmem>>) dst(%dma_wait3A_15 : memref<512x50xf32, #tpu.memory_space<hbm>>)
      tpu.yield
    }) : () -> ()
    return
  }
}

module attributes {stable_mosaic.version = 14 : i64} {
  func.func @_mlp_body(%arg0: i32, %arg1: memref<4096x50xf32, #tpu.memory_space<vmem>>, %arg2: memref<4096x100xf32, #tpu.memory_space<vmem>>, %arg3: memref<50x50xf32, #tpu.memory_space<vmem>>, %arg4: memref<100x50xf32, #tpu.memory_space<vmem>>, %arg5: memref<1x50xf32, #tpu.memory_space<vmem>>, %arg6: memref<50x1xf32, #tpu.memory_space<vmem>>, %arg7: memref<1x1xf32, #tpu.memory_space<vmem>>, %arg8: memref<4096x1xf32, #tpu.memory_space<vmem>>) attributes {dimension_semantics = [#tpu.dimension_semantics<arbitrary>], iteration_bounds = array<i64: 4>, scalar_prefetch = 0 : i64, scratch_operands = 0 : i64, tpu.core_type = #tpu.core_type<tc>, window_params = [{transform_indices = @transform_0, window_bounds = array<i64: 4096, 50>}, {transform_indices = @transform_1, window_bounds = array<i64: 4096, 100>}, {pipeline_mode = #tpu.pipeline_mode<synchronous>, transform_indices = @transform_2, window_bounds = array<i64: 50, 50>}, {pipeline_mode = #tpu.pipeline_mode<synchronous>, transform_indices = @transform_3, window_bounds = array<i64: 100, 50>}, {pipeline_mode = #tpu.pipeline_mode<synchronous>, transform_indices = @transform_4, window_bounds = array<i64: 1, 50>}, {pipeline_mode = #tpu.pipeline_mode<synchronous>, transform_indices = @transform_5, window_bounds = array<i64: 50, 1>}, {pipeline_mode = #tpu.pipeline_mode<synchronous>, transform_indices = @transform_6, window_bounds = array<i64: 1, 1>}, {transform_indices = @transform_7, window_bounds = array<i64: 4096, 1>}]} {
    %get3A = arith.constant 0 : index
    %get3A_0 = arith.constant 0 : index
    %get3A_1 = vector.load %arg1[%get3A, %get3A_0] : memref<4096x50xf32, #tpu.memory_space<vmem>>, vector<4096x50xf32>
    %get3A_2 = arith.constant 0 : index
    %get3A_3 = arith.constant 0 : index
    %get3A_4 = vector.load %arg3[%get3A_2, %get3A_3] : memref<50x50xf32, #tpu.memory_space<vmem>>, vector<50x50xf32>
    %dot_general3A = arith.constant dense<0.000000e+00> : vector<4096x50xf32>
    %dot_general3A_5 = tpu.matmul %get3A_1, %get3A_4, %dot_general3A {dimension_numbers = #tpu.dot_dimension_numbers<[1], [0], [0], [1], [0, 0, 1, 1], [], []>, transpose_lhs_hint = false} : vector<4096x50xf32>, vector<50x50xf32>, vector<4096x50xf32> -> vector<4096x50xf32>
    %get3A_6 = arith.constant 0 : index
    %get3A_7 = arith.constant 0 : index
    %get3A_8 = vector.load %arg2[%get3A_6, %get3A_7] : memref<4096x100xf32, #tpu.memory_space<vmem>>, vector<4096x100xf32>
    %get3A_9 = arith.constant 0 : index
    %get3A_10 = arith.constant 0 : index
    %get3A_11 = vector.load %arg4[%get3A_9, %get3A_10] : memref<100x50xf32, #tpu.memory_space<vmem>>, vector<100x50xf32>
    %dot_general3A_12 = arith.constant dense<0.000000e+00> : vector<4096x50xf32>
    %dot_general3A_13 = tpu.matmul %get3A_8, %get3A_11, %dot_general3A_12 {dimension_numbers = #tpu.dot_dimension_numbers<[1], [0], [0], [1], [0, 0, 1, 1], [], []>, transpose_lhs_hint = false} : vector<4096x100xf32>, vector<100x50xf32>, vector<4096x50xf32> -> vector<4096x50xf32>
    %add3A = arith.addf %dot_general3A_5, %dot_general3A_13 : vector<4096x50xf32>
    %get3A_14 = arith.constant 0 : index
    %get3A_15 = arith.constant 0 : index
    %get3A_16 = vector.load %arg5[%get3A_14, %get3A_15] : memref<1x50xf32, #tpu.memory_space<vmem>>, vector<1x50xf32>
    %add3A_17 = vector.broadcast %get3A_16 : vector<1x50xf32> to vector<4096x50xf32>
    %add3A_18 = arith.addf %add3A, %add3A_17 : vector<4096x50xf32>
    %max3A = arith.constant 0.000000e+00 : f32
    %max3A_19 = vector.broadcast %max3A : f32 to vector<4096x50xf32>
    %max3A_20 = arith.maximumf %add3A_18, %max3A_19 : vector<4096x50xf32>
    %get3A_21 = arith.constant 0 : index
    %get3A_22 = arith.constant 0 : index
    %get3A_23 = vector.load %arg6[%get3A_21, %get3A_22] : memref<50x1xf32, #tpu.memory_space<vmem>>, vector<50x1xf32>
    %dot_general3A_24 = arith.constant dense<0.000000e+00> : vector<4096x1xf32>
    %dot_general3A_25 = tpu.matmul %max3A_20, %get3A_23, %dot_general3A_24 {dimension_numbers = #tpu.dot_dimension_numbers<[1], [0], [0], [1], [0, 0, 1, 1], [], []>, transpose_lhs_hint = false} : vector<4096x50xf32>, vector<50x1xf32>, vector<4096x1xf32> -> vector<4096x1xf32>
    %get3A_26 = arith.constant 0 : index
    %get3A_27 = arith.constant 0 : index
    %get3A_28 = vector.load %arg7[%get3A_26, %get3A_27] : memref<1x1xf32, #tpu.memory_space<vmem>>, vector<1x1xf32>
    %add3A_29 = vector.broadcast %get3A_28 : vector<1x1xf32> to vector<4096x1xf32>
    %add3A_30 = arith.addf %dot_general3A_25, %add3A_29 : vector<4096x1xf32>
    %logistic3A = arith.negf %add3A_30 : vector<4096x1xf32>
    %logistic3A_31 = math.exp %logistic3A : vector<4096x1xf32>
    %logistic3A_32 = arith.constant 1.000000e+00 : f32
    %logistic3A_33 = vector.broadcast %logistic3A_32 : f32 to vector<4096x1xf32>
    %logistic3A_34 = arith.addf %logistic3A_33, %logistic3A_31 : vector<4096x1xf32>
    %logistic3A_35 = arith.divf %logistic3A_33, %logistic3A_34 : vector<4096x1xf32>
    %swap3A = arith.constant 0 : index
    %swap3A_36 = arith.constant 0 : index
    %swap3A_37 = vector.load %arg8[%swap3A, %swap3A_36] : memref<4096x1xf32, #tpu.memory_space<vmem>>, vector<4096x1xf32>
    tpu.vector_store %arg8[%swap3A, %swap3A_36], %logistic3A_35 {strides = array<i32>} : memref<4096x1xf32, #tpu.memory_space<vmem>>, vector<4096x1xf32>,
    return
  }
  func.func @transform_0(%arg0: i32) -> (i32, i32) {
    %c0_i32 = arith.constant 0 : i32
    %c0_i32_0 = arith.constant 0 : i32
    return %arg0, %c0_i32 : i32, i32
  }
  func.func @transform_1(%arg0: i32) -> (i32, i32) {
    %c0_i32 = arith.constant 0 : i32
    %c0_i32_0 = arith.constant 0 : i32
    return %arg0, %c0_i32 : i32, i32
  }
  func.func @transform_2(%arg0: i32) -> (i32, i32) {
    %c0_i32 = arith.constant 0 : i32
    %c0_i32_0 = arith.constant 0 : i32
    %c0_i32_1 = arith.constant 0 : i32
    return %c0_i32, %c0_i32_0 : i32, i32
  }
  func.func @transform_3(%arg0: i32) -> (i32, i32) {
    %c0_i32 = arith.constant 0 : i32
    %c0_i32_0 = arith.constant 0 : i32
    %c0_i32_1 = arith.constant 0 : i32
    return %c0_i32, %c0_i32_0 : i32, i32
  }
  func.func @transform_4(%arg0: i32) -> (i32, i32) {
    %c0_i32 = arith.constant 0 : i32
    %c0_i32_0 = arith.constant 0 : i32
    %c0_i32_1 = arith.constant 0 : i32
    return %c0_i32, %c0_i32_0 : i32, i32
  }
  func.func @transform_5(%arg0: i32) -> (i32, i32) {
    %c0_i32 = arith.constant 0 : i32
    %c0_i32_0 = arith.constant 0 : i32
    %c0_i32_1 = arith.constant 0 : i32
    return %c0_i32, %c0_i32_0 : i32, i32
  }
  func.func @transform_6(%arg0: i32) -> (i32, i32) {
    %c0_i32 = arith.constant 0 : i32
    %c0_i32_0 = arith.constant 0 : i32
    %c0_i32_1 = arith.constant 0 : i32
    return %c0_i32, %c0_i32_0 : i32, i32
  }
  func.func @transform_7(%arg0: i32) -> (i32, i32) {
    %c0_i32 = arith.constant 0 : i32
    %c0_i32_0 = arith.constant 0 : i32
    return %arg0, %c0_i32 : i32, i32
  }
}

</mosaic_0001>

<sc_bundles>
// kernel: kernel.4.cloned.1.call-start
scs
__scs_entry_jumppad:
0x0: {  	(pc) =	sbr.rel $0x88, $3  }
0x1: {  	(tag) =	ssettag $0x0;
	lr =	simm.s32 $0x1  }
0x2: {  	[smem:$0x3F9A] =	sst lr;
	_ =	strace $0xD0000000  }
0x3: {  	_ = 	snop  }
0x4: {  	_ = 	snop  }
0x5: {  	_ = 	snop  }
0x6: {  	_ = 	snop  }
0x7: {  	_ = 	snop  }
__scs_overlays_trampoline_lowered:
0x8: {  	[smem:$0x3FA9] =	sst s0  }
0x9: {  	[smem:$0x3FAA] =	sst s1  }
0xa: {  	[smem:$0x3FAB] =	sst s2  }
0xb: {  	[smem:$0x3FAC] =	sst s3  }
0xc: {  	[smem:$0x3FAD] =	sst s4  }
0xd: {  	[smem:$0x3FAE] =	sst s5  }
0xe: {  	[smem:$0x3FAF] =	sst s6  }
0xf: {  	[smem:$0x3FB0] =	sst s7  }
0x10: {  	[smem:$0x3FB1] =	sst s8  }
0x11: {  	[smem:$0x3FB2] =	sst s9;
	s0 =	simm.s32 @!p0 $0x0  }
0x12: {  	s1 =	sld [smem:$0x3F98];
	s0 =	simm.s32 @p0 $0x1  }
0x13: {  	[smem:$0x3FB3] =	sst s0;
	s0 =	simm.s32 @!p1 $0x0  }
0x14: {  	s2 =	sld [smem:$0x3F97];
	s0 =	simm.s32 @p1 $0x1  }
0x15: {  	[smem:$0x3FB4] =	sst s0;
	s0 =	simm.s32 @!p2 $0x0  }
0x16: {  	s3 =	sld [smem:$0x3FDB];
	s0 =	simm.s32 @p2 $0x1  }
0x17: {  	s4 =	simm.s32 $0x1BF5;
	[smem:$0x3FB6] =	sst s0  }
0x18: {  	s0 =	sld [smem:$0x3F99];
	_ =	swait.ge [sflag:s4], $0x0  }
0x19: {  	s7 =	sld [smem:$0x3F9A]  }
0x1a: {  	s8 =	sadd.s32 $0xFFFFE003, lr  }
0x1b: {  	s9 =	sadd.s32 $0xFFFFFEF7, lr;
	s5 =	simm.s32 $0xFFFFFFFF;
	p2 =	slt.u32 s8, $0xFFFFF086  }
0x1c: {  	p1 =	slt.u32 s9, $0xF7A;
	s5 =	simm.s32 @!p2 $0x0  }
0x1d: {  	s5 =	simm.s32 @p1 $0x1;
	p0 =	seq.s32 s7, s2  }
0x1e: {  	s7 =	smul.u32 @!p0 $0xF7A, s2;
	p2 =	seq.s32 @!p0 s5, $0x0  }
0x1f: {  	s9 =	smul.u32 $0xF7A, s1;
	s8 =	simm.s32 @!p0 $0x1BF5;
	p2 =	por !p2, p0  }
0x20: {  	[sflag:s8] =	ssyncset.s32 @!p0 $0xFFFFF086;
	s6 =	sadd.s32 @!p0 s3, s7;
	s7 =	simm.s32 @!p0 $0x108  }
0x21: {  	s3 =	sadd.s32 s3, s9;
	s6 =	sadd.s32 @!p0 $0x88, s6;
	s7 =	simm.s32 @p2 $0x1082  }
0x22: {  	[simem:s7], [sflag:s8] =	dma.local @!p0 [hbm:s6], $0xF7A  }
0x23: {  	s9 =	sor.u32 $0xD0000000, s2;
	s6 =	simm.s32 $0x108;
	_ =	swait.ge @!p0 [sflag:s8], $0x0  }
0x24: {  	s3 =	sadd.s32 $0x88, s3;
	s6 =	simm.s32 @!p1 $0x1082;
	[sflag:s4] =	ssyncset.s32 $0xFFFFF086  }
0x25: {  	[simem:s6], [sflag:s4] =	dma.local [hbm:s3], $0xF7A  }
0x26: {  	[smem:$0x3F9A] =	sst s1;
	(tag) =	ssettag s2;
	_ =	strace s9  }
0x27: {  	s1 =	sld [smem:$0x3FAA]  }
0x28: {  	s2 =	sld [smem:$0x3FAB]  }
0x29: {  	s4 =	sld [smem:$0x3FAD]  }
0x2a: {  	p0 =	seq.s32 s5, $0x0;
	s5 =	sld [smem:$0x3FAE]  }
0x2b: {  	s6 =	sld [smem:$0x3FAF]  }
0x2c: {  	s7 =	sld [smem:$0x3FB0]  }
0x2d: {  	s3 =	simm.s32 $0x108;
	s8 =	sld [smem:$0x3FB1]  }
0x2e: {  	s3 =	simm.s32 @!p0 $0x1082;
	s9 =	sld [smem:$0x3FB2]  }
0x2f: {  	lr =	sadd.s32 s0, s3;
	s0 =	sld [smem:$0x3FA9]  }
0x30: {  	s3 =	sld [smem:$0x3FAC]  }
0x31: {  	[smem:$0x3FB5] =	sst s10  }
0x32: {  	s10 =	sld [smem:$0x3FB3];
	_ =	sdelay $0x3  }
0x33: {  	p0 =	seq.s32 s10, $0x1;
	s10 =	sld [smem:$0x3FB5];
	_ =	sdelay $0x3  }
0x34: {  	[smem:$0x3FB5] =	sst s10  }
0x35: {  	s10 =	sld [smem:$0x3FB4];
	_ =	sdelay $0x3  }
0x36: {  	p1 =	seq.s32 s10, $0x1;
	s10 =	sld [smem:$0x3FB5];
	_ =	sdelay $0x3  }
0x37: {  	[smem:$0x3FB5] =	sst s10  }
0x38: {  	s10 =	sld [smem:$0x3FB6]  }
0x39: {  	_ = 	snop;
	(pc) =	sbr.ind lr, $3  }
0x3a: {  	_ = 	snop  }
0x3b: {  	_ = 	snop  }
0x3c: {  	p2 =	seq.s32 s10, $0x1;
	s10 =	sld [smem:$0x3FB5]  }
0x3d: {  	_ =	shalt  }
0x3e: {  	_ =	shalt  }
0x3f: {  	_ =	shalt  }
0x40: {  	_ =	shalt  }
0x41: {  	_ =	shalt  }
0x42: {  	_ =	shalt  }
0x43: {  	_ =	shalt  }
0x44: {  	_ =	shalt  }
0x45: {  	_ =	shalt  }
0x46: {  	_ =	shalt  }
0x47: {  	_ =	shalt  }
0x48: {  	_ =	shalt  }
0x49: {  	_ =	shalt  }
0x4a: {  	_ =	shalt  }
0x4b: {  	_ =	shalt  }
0x4c: {  	_ =	shalt  }
0x4d: {  	_ =	shalt  }
0x4e: {  	_ =	shalt  }
0x4f: {  	_ =	shalt  }
0x50: {  	_ =	shalt  }
0x51: {  	_ =	shalt  }
0x52: {  	_ =	shalt  }
0x53: {  	_ =	shalt  }
0x54: {  	_ =	shalt  }
0x55: {  	_ =	shalt  }
0x56: {  	_ =	shalt  }
0x57: {  	_ =	shalt  }
0x58: {  	_ =	shalt  }
0x59: {  	_ =	shalt  }
0x5a: {  	_ =	shalt  }
0x5b: {  	_ =	shalt  }
0x5c: {  	_ =	shalt  }
0x5d: {  	_ =	shalt  }
0x5e: {  	_ =	shalt  }
0x5f: {  	_ =	shalt  }
0x60: {  	_ =	shalt  }
0x61: {  	_ =	shalt  }
0x62: {  	_ =	shalt  }
0x63: {  	_ =	shalt  }
0x64: {  	_ =	shalt  }
0x65: {  	_ =	shalt  }
0x66: {  	_ =	shalt  }
0x67: {  	_ =	shalt  }
0x68: {  	_ =	shalt  }
0x69: {  	_ =	shalt  }
0x6a: {  	_ =	shalt  }
0x6b: {  	_ =	shalt  }
0x6c: {  	_ =	shalt  }
0x6d: {  	_ =	shalt  }
0x6e: {  	_ =	shalt  }
0x6f: {  	_ =	shalt  }
0x70: {  	_ =	shalt  }
0x71: {  	_ =	shalt  }
0x72: {  	_ =	shalt  }
0x73: {  	_ =	shalt  }
0x74: {  	_ =	shalt  }
0x75: {  	_ =	shalt  }
0x76: {  	_ =	shalt  }
0x77: {  	_ =	shalt  }
0x78: {  	_ =	shalt  }
0x79: {  	_ =	shalt  }
0x7a: {  	_ =	shalt  }
0x7b: {  	_ =	shalt  }
0x7c: {  	_ =	shalt  }
0x7d: {  	_ =	shalt  }
0x7e: {  	_ =	shalt  }
0x7f: {  	_ =	shalt  }
0x80: {  	_ =	shalt  }
0x81: {  	_ =	shalt  }
0x82: {  	_ =	shalt  }
0x83: {  	_ =	shalt  }
0x84: {  	_ =	shalt  }
0x85: {  	_ =	shalt  }
0x86: {  	_ =	shalt  }
0x87: {  	_ =	shalt  }
.Lfunc_end0:
.L_simem_size_0:
called_computation_lowered:
.L_overlay_start_0:
0x88: {  	s2 =	sld [smem:$0x3FD9]  }
0x89: {  	s3 =	sld [smem:$0x3FFE];
	_ =	sdelay $0x1  }
0x8a: {  	s1 =	srdreg.scid  }
0x8b: {  	s0 =	sand.u32 $0x1, s1  }
0x8c: {  	s17 =	sshll.u32 s0, $0xA;
	s2 =	sadd.s32 s3, s2  }
0x8d: {  	s2 =	sadd.s32 s2, s17  }
0x8e: {  	[smem:$0x3FC1] =	sst s2  }
0x8f: {  	_ = 	snop  }
0x90: {  	s2 =	sld [smem:$0x3FC9];
	(tm) =	ssettm $0x1  }
0x91: {  	s18 =	sld [smem:$0x3FFB];
	_ =	sdelay $0x3  }
0x92: {  	_ =	strace s18  }
0x93: {  	s3 =	sld [smem:$0x3FFC];
	_ =	sdelay $0x3  }
0x94: {  	_ =	strace s3  }
0x95: {  	s3 =	sld [smem:$0x3FFD];
	_ =	sdelay $0x3  }
0x96: {  	_ =	strace s3  }
0x97: {  	_ =	strace $0x8FFFFFFF  }
0x98: {  	s19 =	sld [smem:$0x3FDB];
	_ =	sdelay $0x1  }
0x99: {  	s4 =	simm.s32 $_scs_section_size  }
0x9a: {  	s5 =	simm.s32 $_size__tile_overlayer_lowered;
	s6 =	simm.s32 $_tile_overlayer_lowered  }
0x9b: {  	s22 =	simm.s32 $0x1BFF;
	s21 =	sshll.u32 s6, $0x1;
	s3 =	sadd.s32 s4, s19  }
0x9c: {  	s7 =	simm.s32 $0x0;
	s20 =	sshll.u32 s5, $0x1;
	s5 =	sadd.s32 s21, s3  }
0x9d: {  	[timem:s7], [sflag:s22] =	dma.local [hbm:s5], s20  }
0x9e: {  	_ =	swait.ge [sflag:s22], s20  }
0x9f: {  	s4 =	ssub.s32 $0x0, s20;
	[sflag:s22] =	ssyncset.done $0x0  }
0xa0: {  	[sflag:s22] =	ssyncadd.s32 s4;
	_ =	sdelay $0x1  }
0xa1: {  	s23 =	simm.s32 $0x1B8B  }
0xa2: {  	_ =	swait.ge [sflag:s23], $0x1  }
0xa3: {  	[sflag:s23] =	ssyncset.done $0x0  }
0xa4: {  	s25 =	simm.s32 $0x1B8E;
	s24 =	sld [smem:$0x3FFE];
	[sflag:s23] =	ssyncadd.s32 $0xFFFFFFFF  }
0xa5: {  	s26 =	simm.s32 $execute0_lowered;
	[smem:$0x3FD2] =	sst s25  }
0xa6: {  	s5 =	sshll.u32 s26, $0x1;
	_ =	strace $0x80000046;
	[dreg:$0x1] =	wrdreg $0xFFFFFFFF  }
0xa7: {  	s28 =	simm.s32 $_size_execute0_lowered;
	s3 =	sadd.s32 s3, s5;
	[dreg:$0x0] =	wrdreg $0x0  }
0xa8: {  	s5 =	sshll.u32 s28, $0x1;
	[dreg:$0x2] =	wrdreg s3  }
0xa9: {  	[dreg:$0x3] =	wrdreg s5  }
0xaa: {  	[dreg:$0x4] =	wrdreg $0xC0  }
0xab: {  	_ =	task [dreg:s7], $0x5FFFF  }
0xac: {  	[dreg:$0x1] =	wrdreg $0xFFFFFFFF  }
0xad: {  	[dreg:$0x0] =	wrdreg $0x60  }
0xae: {  	[dreg:$0x2] =	wrdreg s24  }
0xaf: {  	[dreg:$0x3] =	wrdreg s2  }
0xb0: {  	[dreg:$0x4] =	wrdreg $0x9  }
0xb1: {  	_ =	task.clear_ibuf [dreg:s7], $0x5FFFF;
	_ =	strace $0x90000046  }
0xb2: {  	s29 =	simm.s32 $0x9;
	_ =	strace $0x80000048  }
0xb3: {  	_ =	swait.ge [sflag:s29], $0x1  }
0xb4: {  	[sflag:s29] =	ssyncadd.s32 $0xFFFFFFFF  }
0xb5: {  	_ =	strace $0x90000048  }
0xb6: {  	_ =	sfence  }
0xb7: {  	s30 =	sld [smem:$0x0];
	_ =	sdelay $0x2  }
0xb8: {  	s31 =	sshll.u32 s1, $0xD;
	s1 =	sshrl.u32 s1, $0x2  }
0xb9: {  	s3 =	sand.u32 $0x4000, s31;
	s1 =	sadd.s32 s1, s30  }
0xba: {  	s0 =	sor.u32 s3, s0;
	s1 =	sshll.u32 s1, $0x11  }
0xbb: {  	s0 =	sor.u32 s1, s0  }
0xbc: {  	s0 =	sadd.s32 $0x8F2B, s0  }
0xbd: {  	[sflag:s0] =	ssyncadd.remote.s32 $0x1  }
0xbe: {  	_ =	sfence.sel $0xFFFF  }
0xbf: {  	[dreg:$0x0] =	wrdreg $0xFFFFFFFF;
	(pc) =	sbr.abs _section_cstart, $3  }
0xc0: {  	[dreg:$0x1] =	wrdreg $0xFFFFFFFF  }
0xc1: {  	_ =	task.clear_ibuf [dreg:s7], $0x2FFFF;
	_ =	strace $0x9FFFFFFF  }
0xc2: {  	(tm) =	ssettm $0x7FFFFFFF  }
0xc3: {  	_ =	shalt  }
tec
execute0_lowered:
.L_overlay_start_1:
0x0: {  	(tag) =	ssettag $0x1  }
0x1: {  	s0 =	rddreg [dreg:$0x0]  }
0x2: {  	s1 =	rddreg [dreg:$0x1];
	s3 =	srdreg.scid  }
0x3: {  	s2 =	simm.s32 $0x0;
	s5 =	stileid.u32;
	s4 =	sand.u32 $0x1, s3  }
0x4: {  	[smem:$0x7FF] =	sst s2;
	s28 =	sshll.u32 s5, $0xA;
	s29 =	sshll.u32 s4, $0x9  }
0x5: {  	s3 =	sadd.s32 $0x1200, s0;
	s4 =	ssub.s32 $0x2, s4;
	s5 =	sor.u32 s29, s28  }
0x6: {  	s30 =	sshrl.u32 s4, $0x1;
	s6 =	sshll.u32 s5, $0x4;
	s5 =	sshrl.u32 s5, $0x3  }
0x7: {  	_ =	strace $0x80000047;
	s4 =	ssub.s32 s4, s30;
	s1 =	sadd.s32 s1, s5  }
0x8: {  	s0 =	sadd.s32 s6, s0;
	s31 =	smax.u32 s4, $0x1;
	[dreg:$0x9] =	wrdreg s1  }
0x9: {  	s0 =	sadd.s32 $0xF43600, s0;
	[dreg:$0xb] =	wrdreg s31  }
0xa: {  	s4 =	simm.s32 $0x0;
	s1 =	simm.s32 $0x9;
	[dreg:$0xa] =	wrdreg s0  }
.LBB2_1:
0xb: {  	[dreg:$0xc] =	wrdreg s4  }
0xc: {  	s0 =	rddreg [dreg:$0x9]  }
0xd: {  	[tilespmem:s2], [sflag:$0x9] =	stream.linear.gather [hbm4b:s0+s2], $0x200, $0x38;
	[tilespmem:$0x10200] =	vst v63  }
0xe: {  	_ =	swait.ge [sflag:s1], $0x200  }
0xf: {  	[sflag:s1] =	ssyncset.done $0x0  }
0x10: {  	s13 =	simm.s32 $0x20;
	[sflag:s1] =	ssyncadd.s32 $0xFFFFFE00  }
0x11: {  	v0 =	vld [tilespmem:s13+$0xFFFFFFE0];
	_ =	sdelay $0x4  }
0x12: {  	v0 =	vshll.u32 v0, $0x4  }
0x13: {  	(v2sf) =	vpush v0, $0x0  }
0x14: {  	(v2sf) =	vpush v0, $0x1  }
0x15: {  	(v2sf) =	vpush v0, $0x2;
	_ =	sdelay $0x1  }
0x16: {  	(v2sf) =	vpush v0, $0x3  }
0x17: {  	(v2sf) =	vpush v0, $0x4;
	_ =	sdelay $0x3  }
0x18: {  	(v2sf) =	vpush v0, $0x5;
	_ =	sdelay $0x4  }
0x19: {  	s9 =	simm.s32 $0x380;
	s10 =	simm.s32 $0x280  }
0x1a: {  	s11 =	simm.s32 $0x300;
	s6 =	simm.s32 $0x200;
	s5 =	spop (v2sf);
	(v2sf) =	vpush v0, $0x6  }
0x1b: {  	s22 =	simm.s32 $0x400;
	s5 =	sand.u32 $0x1FFFFFF0, s5;
	s7 =	spop (v2sf);
	(v2sf) =	vpush v0, $0x7  }
0x1c: {  	s25 =	simm.s32 $0x480;
	s5 =	sadd.s32 s3, s5;
	s8 =	spop (v2sf);
	(v2sf) =	vpush v0, $0x8  }
0x1d: {  	[tilespmem:s6], [sflag:$0x1] =	stream.linear.gather [hbm4b:s5+s2], $0x80, $0x38;
	[tilespmem:$0x10200] =	vst v63  }
0x1e: {  	s28 =	simm.s32 $0x700;
	s7 =	sand.u32 $0x1FFFFFF0, s7;
	s15 =	spop (v2sf);
	(v2sf) =	vpush v0, $0x9  }
0x1f: {  	s12 =	sadd.s32 s3, s7;
	s14 =	sand.u32 $0x1FFFFFF0, s8;
	s18 =	spop (v2sf)  }
0x20: {  	(v2sf) =	vpush v0, $0xA;
	[tilespmem:s10], [sflag:$0x2] =	stream.linear.gather [hbm4b:s12+s2], $0x80, $0x38;
	[tilespmem:$0x10200] =	vst v63  }
0x21: {  	s29 =	simm.s32 $0x680;
	s16 =	sadd.s32 s3, s14;
	s17 =	sand.u32 $0x1FFFFFF0, s15  }
0x22: {  	(v2sf) =	vpush v0, $0xB;
	[tilespmem:s11], [sflag:$0x3] =	stream.linear.gather [hbm4b:s16+s2], $0x80, $0x38;
	[tilespmem:$0x10200] =	vst v63  }
0x23: {  	s19 =	sadd.s32 s3, s17;
	s20 =	sand.u32 $0x1FFFFFF0, s18;
	s21 =	spop (v2sf)  }
0x24: {  	(v2sf) =	vpush v0, $0xC;
	[tilespmem:s9], [sflag:$0x4] =	stream.linear.gather [hbm4b:s19+s2], $0x80, $0x38;
	[tilespmem:$0x10200] =	vst v63  }
0x25: {  	s30 =	simm.s32 $0x600;
	s23 =	sadd.s32 s3, s20;
	s24 =	sand.u32 $0x1FFFFFF0, s21  }
0x26: {  	(v2sf) =	vpush v0, $0xD;
	[tilespmem:s22], [sflag:$0x5] =	stream.linear.gather [hbm4b:s23+s2], $0x80, $0x38;
	[tilespmem:$0x10200] =	vst v63  }
0x27: {  	s31 =	simm.s32 $0x580;
	s0 =	simm.s32 $0x880;
	s26 =	sadd.s32 s3, s24  }
0x28: {  	(v2sf) =	vpush v0, $0xE;
	[tilespmem:s25], [sflag:$0x6] =	stream.linear.gather [hbm4b:s26+s2], $0x80, $0x38;
	[tilespmem:$0x10200] =	vst v63  }
0x29: {  	s1 =	simm.s32 $0x800;
	s5 =	simm.s32 $0x780;
	s9 =	spop (v2sf)  }
0x2a: {  	s10 =	simm.s32 $0x500;
	s9 =	sand.u32 $0x1FFFFFF0, s9;
	s11 =	spop (v2sf);
	(v2sf) =	vpush v0, $0xF  }
0x2b: {  	s9 =	sadd.s32 s3, s9;
	s11 =	sand.u32 $0x1FFFFFF0, s11;
	s12 =	spop (v2sf)  }
0x2c: {  	[tilespmem:s10], [sflag:$0x7] =	stream.linear.gather [hbm4b:s9+s2], $0x80, $0x38;
	[tilespmem:$0x10200] =	vst v63  }
0x2d: {  	s11 =	sadd.s32 s3, s11;
	s14 =	sand.u32 $0x1FFFFFF0, s12;
	s15 =	spop (v2sf)  }
0x2e: {  	[tilespmem:s31], [sflag:$0x8] =	stream.linear.gather [hbm4b:s11+s2], $0x80, $0x38;
	[tilespmem:$0x10200] =	vst v63  }
0x2f: {  	s16 =	sadd.s32 s3, s14;
	s17 =	sand.u32 $0x1FFFFFF0, s15;
	s18 =	spop (v2sf)  }
0x30: {  	[tilespmem:s30], [sflag:$0x1] =	stream.linear.gather [hbm4b:s16+s2], $0x80, $0x38;
	[tilespmem:$0x10200] =	vst v63  }
0x31: {  	s19 =	sadd.s32 s3, s17;
	s20 =	sand.u32 $0x1FFFFFF0, s18;
	s21 =	spop (v2sf)  }
0x32: {  	[tilespmem:s29], [sflag:$0x2] =	stream.linear.gather [hbm4b:s19+s2], $0x80, $0x38;
	[tilespmem:$0x10200] =	vst v63  }
0x33: {  	s22 =	sadd.s32 s3, s20;
	s23 =	sand.u32 $0x1FFFFFF0, s21;
	s24 =	spop (v2sf)  }
0x34: {  	[tilespmem:s28], [sflag:$0x3] =	stream.linear.gather [hbm4b:s22+s2], $0x80, $0x38;
	[tilespmem:$0x10200] =	vst v63  }
0x35: {  	s25 =	sadd.s32 s3, s23;
	s26 =	sand.u32 $0x1FFFFFF0, s24;
	s28 =	spop (v2sf)  }
0x36: {  	[tilespmem:s5], [sflag:$0x4] =	stream.linear.gather [hbm4b:s25+s2], $0x80, $0x38;
	[tilespmem:$0x10200] =	vst v63  }
0x37: {  	s29 =	sadd.s32 s3, s26;
	s30 =	sand.u32 $0x1FFFFFF0, s28;
	s31 =	spop (v2sf)  }
0x38: {  	[tilespmem:s1], [sflag:$0x5] =	stream.linear.gather [hbm4b:s29+s2], $0x80, $0x38;
	[tilespmem:$0x10200] =	vst v63  }
0x39: {  	s7 =	sadd.s32 s3, s30;
	s8 =	sand.u32 $0x1FFFFFF0, s31;
	s9 =	spop (v2sf)  }
0x3a: {  	[tilespmem:s0], [sflag:$0x6] =	stream.linear.gather [hbm4b:s7+s2], $0x80, $0x38;
	[tilespmem:$0x10200] =	vst v63  }
0x3b: {  	s10 =	simm.s32 $0x900;
	s11 =	sadd.s32 s3, s8;
	s12 =	sand.u32 $0x1FFFFFF0, s9  }
0x3c: {  	[tilespmem:s10], [sflag:$0x7] =	stream.linear.gather [hbm4b:s11+s2], $0x80, $0x38;
	[tilespmem:$0x10200] =	vst v63  }
0x3d: {  	s14 =	simm.s32 $0x980;
	s15 =	sadd.s32 s3, s12  }
0x3e: {  	[tilespmem:s14], [sflag:$0x8] =	stream.linear.gather [hbm4b:s15+s2], $0x80, $0x38;
	[tilespmem:$0x10200] =	vst v63  }
0x3f: {  	v63 =	vld [tilespmem:s13+$0xFFFFFFF0];
	_ =	sdelay $0x4  }
0x40: {  	v0 =	vshll.u32 v63, $0x4  }
0x41: {  	(v2sf) =	vpush v0, $0x0  }
0x42: {  	(v2sf) =	vpush v0, $0x1  }
0x43: {  	(v2sf) =	vpush v0, $0x2;
	_ =	sdelay $0x2  }
0x44: {  	(v2sf) =	vpush v0, $0x3;
	_ =	sdelay $0x1  }
0x45: {  	(v2sf) =	vpush v0, $0x4;
	_ =	sdelay $0x1  }
0x46: {  	(v2sf) =	vpush v0, $0x5;
	_ =	sdelay $0x1  }
0x47: {  	s6 =	simm.s32 $0xE80;
	(v2sf) =	vpush v0, $0x6  }
0x48: {  	s17 =	simm.s32 $0xB80;
	s18 =	simm.s32 $0xA00;
	s21 =	simm.s32 $0x0  }
0x49: {  	s23 =	simm.s32 $0x60;
	s24 =	simm.s32 $0xA80;
	s19 =	simm.s32 $0x1200;
	(v2sf) =	vpush v0, $0x7  }
0x4a: {  	s22 =	simm.s32 $0x3200;
	s5 =	simm.s32 $0xD00;
	s1 =	simm.s32 $0x1000  }
0x4b: {  	s29 =	simm.s32 $0xB00;
	s0 =	simm.s32 $0x1080;
	(v2sf) =	vpush v0, $0x8;
	s16 =	spop (v2sf)  }
0x4c: {  	s9 =	simm.s32 $0xC00;
	s4 =	sand.u32 $0x1FFFFFF0, s16;
	s20 =	spop (v2sf)  }
0x4d: {  	s4 =	sadd.s32 s3, s4;
	s25 =	sand.u32 $0x1FFFFFF0, s20;
	s26 =	spop (v2sf)  }
0x4e: {  	[tilespmem:s18], [sflag:$0x1] =	stream.linear.gather [hbm4b:s4+s2], $0x80, $0x38;
	[tilespmem:$0x10200] =	vst v63  }
0x4f: {  	s11 =	simm.s32 $0xC80;
	(v2sf) =	vpush v0, $0x9;
	s7 =	sadd.s32 s3, s25;
	s8 =	sand.u32 $0x1FFFFFF0, s26  }
0x50: {  	s28 =	spop (v2sf);
	(v2sf) =	vpush v0, $0xA;
	s25 =	simm.s32 $0xD80;
	s4 =	simm.s32 $0xF80  }
0x51: {  	[tilespmem:s24], [sflag:$0x2] =	stream.linear.gather [hbm4b:s7+s2], $0x80, $0x38;
	[tilespmem:$0x10200] =	vst v63  }
0x52: {  	s30 =	sadd.s32 s3, s8;
	s31 =	sand.u32 $0x1FFFFFF0, s28;
	s10 =	spop (v2sf)  }
0x53: {  	[tilespmem:s29], [sflag:$0x3] =	stream.linear.gather [hbm4b:s30+s2], $0x80, $0x38;
	[tilespmem:$0x10200] =	vst v63  }
0x54: {  	s8 =	sadd.s32 s3, s31;
	s7 =	sand.u32 $0x1FFFFFF0, s10;
	s12 =	spop (v2sf)  }
0x55: {  	[tilespmem:s17], [sflag:$0x4] =	stream.linear.gather [hbm4b:s8+s2], $0x80, $0x38;
	[tilespmem:$0x10200] =	vst v63  }
0x56: {  	s7 =	sadd.s32 s3, s7;
	s14 =	spop (v2sf);
	s8 =	sand.u32 $0x1FFFFFF0, s12  }
0x57: {  	[tilespmem:s9], [sflag:$0x5] =	stream.linear.gather [hbm4b:s7+s2], $0x80, $0x38;
	[tilespmem:$0x10200] =	vst v63  }
0x58: {  	s16 =	sand.u32 $0x1FFFFFF0, s14;
	s17 =	spop (v2sf);
	s15 =	sadd.s32 s3, s8  }
0x59: {  	[tilespmem:s11], [sflag:$0x6] =	stream.linear.gather [hbm4b:s15+s2], $0x80, $0x38;
	[tilespmem:$0x10200] =	vst v63  }
0x5a: {  	s18 =	sadd.s32 s3, s16;
	s20 =	sand.u32 $0x1FFFFFF0, s17;
	s24 =	spop (v2sf)  }
0x5b: {  	[tilespmem:s5], [sflag:$0x7] =	stream.linear.gather [hbm4b:s18+s2], $0x80, $0x38;
	[tilespmem:$0x10200] =	vst v63  }
0x5c: {  	(v2sf) =	vpush v0, $0xB;
	s29 =	simm.s32 $0xE00;
	s26 =	sadd.s32 s3, s20;
	s28 =	sand.u32 $0x1FFFFFF0, s24  }
0x5d: {  	(v2sf) =	vpush v0, $0xC;
	[tilespmem:s25], [sflag:$0x8] =	stream.linear.gather [hbm4b:s26+s2], $0x80, $0x38;
	[tilespmem:$0x10200] =	vst v63  }
0x5e: {  	(v2sf) =	vpush v0, $0xD;
	s20 =	simm.s32 $0x2080;
	s30 =	sadd.s32 s3, s28;
	s31 =	spop (v2sf)  }
0x5f: {  	(v2sf) =	vpush v0, $0xE;
	s5 =	simm.s32 $0xF00;
	s9 =	sand.u32 $0x1FFFFFF0, s31;
	s8 =	spop (v2sf)  }
0x60: {  	(v2sf) =	vpush v0, $0xF;
	[tilespmem:s29], [sflag:$0x1] =	stream.linear.gather [hbm4b:s30+s2], $0x80, $0x38;
	[tilespmem:$0x10200] =	vst v63  }
.LBB2_2:
0x61: {  	_ =	sdelay $0x4  }
0x62: {  	[dreg:$0x8] =	wrdreg s20;
	s7 =	sadd.s32 s3, s9  }
0x63: {  	s8 =	sand.u32 $0x1FFFFFF0, s8;
	s16 =	smov.u32 s13;
	s10 =	smov.u32 s23  }
0x64: {  	v0 =	vld [tilespmem:s23+$0xFFFFFFE0];
	[tilespmem:s6], [sflag:$0x2] =	stream.linear.gather [hbm4b:s7+s2], $0x80, $0x38  }
0x65: {  	s11 =	sadd.s32 $0xFFFFFF00, s19;
	s14 =	sadd.s32 $0xFFFFFF80, s19;
	s25 =	sadd.s32 s3, s8  }
0x66: {  	[tilespmem:s5], [sflag:$0x3] =	stream.linear.gather [hbm4b:s25+s2], $0x80, $0x38;
	[tilespmem:$0x10200] =	vst v63  }
0x67: {  	s17 =	sadd.s32 $0xE00, s19;
	s18 =	sadd.s32 $0xC80, s19;
	s24 =	spop (v2sf)  }
0x68: {  	[dreg:$0x3] =	wrdreg s10;
	s26 =	sand.u32 $0x1FFFFFF0, s24;
	s28 =	spop (v2sf)  }
0x69: {  	s29 =	sadd.s32 s3, s26;
	s30 =	sand.u32 $0x1FFFFFF0, s28;
	s31 =	spop (v2sf)  }
0x6a: {  	v0 =	vshll.u32 v0, $0x4;
	[tilespmem:s4], [sflag:$0x4] =	stream.linear.gather [hbm4b:s29+s2], $0x80, $0x38;
	[tilespmem:$0x10200] =	vst v63  }
0x6b: {  	(v2sf) =	vpush v0, $0x0;
	s5 =	sadd.s32 s3, s30;
	s6 =	sand.u32 $0x1FFFFFF0, s31;
	s7 =	spop (v2sf)  }
0x6c: {  	(v2sf) =	vpush v0, $0x1;
	[tilespmem:s1], [sflag:$0x5] =	stream.linear.gather [hbm4b:s5+s2], $0x80, $0x38;
	[tilespmem:$0x10200] =	vst v63  }
0x6d: {  	(v2sf) =	vpush v0, $0x2;
	s8 =	sadd.s32 s3, s6;
	s9 =	sand.u32 $0x1FFFFFF0, s7;
	s10 =	spop (v2sf)  }
0x6e: {  	[tilespmem:s0], [sflag:$0x6] =	stream.linear.gather [hbm4b:s8+s2], $0x80, $0x38;
	[tilespmem:$0x10200] =	vst v63  }
0x6f: {  	[dreg:$0x4] =	wrdreg s17;
	(v2sf) =	vpush v0, $0x3;
	s12 =	sadd.s32 s3, s9;
	s13 =	sand.u32 $0x1FFFFFF0, s10  }
0x70: {  	[tilespmem:s11], [sflag:$0x7] =	stream.linear.gather [hbm4b:s12+s2], $0x80, $0x38;
	[tilespmem:$0x10200] =	vst v63  }
0x71: {  	s20 =	sadd.s32 $0xD00, s19;
	[dreg:$0x7] =	wrdreg s18;
	(v2sf) =	vpush v0, $0x4;
	s15 =	sadd.s32 s3, s13  }
0x72: {  	[tilespmem:s14], [sflag:$0x8] =	stream.linear.gather [hbm4b:s15+s2], $0x80, $0x38;
	[tilespmem:$0x10200] =	vst v63  }
0x73: {  	s21 =	sadd.s32 $0x4, s21;
	[dreg:$0x6] =	wrdreg s20;
	s17 =	sadd.s32 $0x600, s19;
	(v2sf) =	vpush v0, $0x5;
	v1 =	vld [tilespmem:s16+$0x0]  }
0x74: {  	s18 =	sadd.s32 $0xFFFFF080, s22;
	s20 =	sadd.s32 $0xFFFFF100, s22;
	s24 =	sadd.s32 $0xD80, s19  }
0x75: {  	p0 =	slt.u32 s21, $0x1C;
	s25 =	sadd.s32 $0xFFFFF000, s22;
	[dreg:$0x5] =	wrdreg s24  }
0x76: {  	s28 =	sadd.s32 $0xA80, s19;
	s31 =	sadd.s32 $0xB00, s19;
	s30 =	sadd.s32 $0xB80, s19  }
0x77: {  	s29 =	sadd.s32 $0xC00, s19;
	s4 =	sadd.s32 $0x780, s19;
	s7 =	sadd.s32 $0x680, s19  }
0x78: {  	s6 =	sadd.s32 $0xFFFFF180, s22;
	s1 =	sadd.s32 $0xA00, s19;
	s5 =	sadd.s32 $0x700, s19;
	v1 =	vshll.u32 v1, $0x4  }
0x79: {  	s10 =	sadd.s32 $0x480, s19;
	s9 =	sadd.s32 $0x500, s19;
	s13 =	sadd.s32 $0x300, s19;
	(v2sf) =	vpush v1, $0x0  }
0x7a: {  	s8 =	sadd.s32 $0x580, s19;
	s12 =	sadd.s32 $0x380, s19;
	s24 =	spop (v2sf);
	(v2sf) =	vpush v1, $0x1  }
0x7b: {  	s11 =	sadd.s32 $0x400, s19;
	s24 =	sand.u32 $0x1FFFFFF0, s24;
	s26 =	spop (v2sf);
	(v2sf) =	vpush v1, $0x2  }
0x7c: {  	s24 =	sadd.s32 s3, s24;
	s26 =	sand.u32 $0x1FFFFFF0, s26;
	s0 =	spop (v2sf)  }
0x7d: {  	[tilespmem:s25], [sflag:$0x1] =	stream.linear.gather [hbm4b:s24+s2], $0x80, $0x38;
	(v2sf) =	vpush v1, $0x3;
	[tilespmem:$0x10200] =	vst v63  }
0x7e: {  	s25 =	sadd.s32 s3, s26;
	s0 =	sand.u32 $0x1FFFFFF0, s0;
	s26 =	spop (v2sf)  }
0x7f: {  	[tilespmem:s18], [sflag:$0x2] =	stream.linear.gather [hbm4b:s25+s2], $0x80, $0x38;
	(v2sf) =	vpush v1, $0x4;
	[tilespmem:$0x10200] =	vst v63  }
0x80: {  	s0 =	sadd.s32 s3, s0;
	s25 =	sand.u32 $0x1FFFFFF0, s26;
	s26 =	spop (v2sf)  }
0x81: {  	(v2sf) =	vpush v1, $0x5;
	[tilespmem:s20], [sflag:$0x3] =	stream.linear.gather [hbm4b:s0+s2], $0x80, $0x38;
	[tilespmem:$0x10200] =	vst v63  }
0x82: {  	s20 =	sadd.s32 s3, s25;
	s25 =	sand.u32 $0x1FFFFFF0, s26;
	s26 =	spop (v2sf)  }
0x83: {  	(v2sf) =	vpush v1, $0x6;
	[tilespmem:s6], [sflag:$0x4] =	stream.linear.gather [hbm4b:s20+s2], $0x80, $0x38;
	[tilespmem:$0x10200] =	vst v63  }
0x84: {  	s24 =	sadd.s32 $0xFFFFF200, s22;
	s25 =	sadd.s32 s3, s25;
	s26 =	sand.u32 $0x1FFFFFF0, s26  }
0x85: {  	(v2sf) =	vpush v1, $0x7;
	[tilespmem:s24], [sflag:$0x5] =	stream.linear.gather [hbm4b:s25+s2], $0x80, $0x38;
	[tilespmem:$0x10200] =	vst v63  }
0x86: {  	s15 =	sadd.s32 $0x200, s19;
	s20 =	sadd.s32 $0xFFFFF280, s22;
	(v2sf) =	vpush v1, $0x8;
	s24 =	sadd.s32 s3, s26  }
0x87: {  	[tilespmem:s20], [sflag:$0x6] =	stream.linear.gather [hbm4b:s24+s2], $0x80, $0x38;
	[tilespmem:$0x10200] =	vst v63  }
0x88: {  	s18 =	sadd.s32 $0x180, s19;
	s0 =	sadd.s32 $0x80, s19;
	s25 =	spop (v2sf)  }
0x89: {  	s20 =	sadd.s32 $0x100, s19;
	s24 =	sand.u32 $0x1FFFFFF0, s25;
	s26 =	spop (v2sf)  }
0x8a: {  	(v2sf) =	vpush v1, $0x9;
	s24 =	sadd.s32 s3, s24;
	s25 =	sand.u32 $0x1FFFFFF0, s26;
	s26 =	spop (v2sf)  }
0x8b: {  	[tilespmem:s19], [sflag:$0x1] =	stream.linear.gather [hbm4b:s24+s2], $0x80, $0x38;
	[tilespmem:$0x10200] =	vst v63  }
0x8c: {  	s24 =	sadd.s32 s3, s25;
	s25 =	sand.u32 $0x1FFFFFF0, s26;
	s26 =	spop (v2sf)  }
0x8d: {  	[tilespmem:s0], [sflag:$0x2] =	stream.linear.gather [hbm4b:s24+s2], $0x80, $0x38;
	[tilespmem:$0x10200] =	vst v63  }
0x8e: {  	s24 =	sadd.s32 s3, s25;
	s25 =	sand.u32 $0x1FFFFFF0, s26;
	s26 =	spop (v2sf);
	(v2sf) =	vpush v1, $0xA  }
0x8f: {  	[tilespmem:s20], [sflag:$0x3] =	stream.linear.gather [hbm4b:s24+s2], $0x80, $0x38;
	[tilespmem:$0x10200] =	vst v63  }
0x90: {  	s24 =	sadd.s32 s3, s25;
	s25 =	sand.u32 $0x1FFFFFF0, s26;
	s26 =	spop (v2sf);
	(v2sf) =	vpush v1, $0xB  }
0x91: {  	(v2sf) =	vpush v1, $0xC;
	[tilespmem:s18], [sflag:$0x4] =	stream.linear.gather [hbm4b:s24+s2], $0x80, $0x38;
	[tilespmem:$0x10200] =	vst v63  }
0x92: {  	s20 =	sadd.s32 s3, s25;
	s25 =	sand.u32 $0x1FFFFFF0, s26;
	s26 =	spop (v2sf)  }
0x93: {  	(v2sf) =	vpush v1, $0xD;
	[tilespmem:s15], [sflag:$0x5] =	stream.linear.gather [hbm4b:s20+s2], $0x80, $0x38;
	[tilespmem:$0x10200] =	vst v63  }
0x94: {  	s14 =	sadd.s32 $0x280, s19;
	s6 =	sadd.s32 $0xFFFFF680, s22;
	s20 =	spop (v2sf)  }
0x95: {  	s18 =	sand.u32 $0x1FFFFFF0, s26;
	s15 =	sadd.s32 s3, s25;
	(v2sf) =	vpush v1, $0xE;
	s26 =	spop (v2sf)  }
0x96: {  	[tilespmem:s14], [sflag:$0x6] =	stream.linear.gather [hbm4b:s15+s2], $0x80, $0x38;
	[tilespmem:$0x10200] =	vst v63  }
0x97: {  	s24 =	sadd.s32 s3, s18;
	s25 =	sand.u32 $0x1FFFFFF0, s20;
	(v2sf) =	vpush v1, $0xF;
	s14 =	sand.u32 $0x1FFFFFF0, s26  }
0x98: {  	[tilespmem:s13], [sflag:$0x7] =	stream.linear.gather [hbm4b:s24+s2], $0x80, $0x38;
	[tilespmem:$0x10200] =	vst v63  }
0x99: {  	s18 =	sadd.s32 s3, s14;
	s13 =	sadd.s32 s3, s25;
	s15 =	spop (v2sf)  }
0x9a: {  	[tilespmem:s12], [sflag:$0x8] =	stream.linear.gather [hbm4b:s13+s2], $0x80, $0x38;
	[tilespmem:$0x10200] =	vst v63  }
0x9b: {  	(v2sf) =	vpush v0, $0x6;
	s12 =	sadd.s32 $0xFFFFF600, s22;
	s14 =	sand.u32 $0x1FFFFFF0, s15;
	s13 =	sadd.s32 $0xFFFFF500, s22  }
0x9c: {  	[tilespmem:s11], [sflag:$0x1] =	stream.linear.gather [hbm4b:s18+s2], $0x80, $0x38;
	[tilespmem:$0x10200] =	vst v63  }
0x9d: {  	(v2sf) =	vpush v0, $0x7;
	s20 =	sadd.s32 s3, s14;
	s11 =	sadd.s32 $0xFFFFF580, s22;
	s24 =	spop (v2sf)  }
0x9e: {  	(v2sf) =	vpush v0, $0x8;
	[tilespmem:s10], [sflag:$0x2] =	stream.linear.gather [hbm4b:s20+s2], $0x80, $0x38;
	[tilespmem:$0x10200] =	vst v63  }
0x9f: {  	s10 =	sadd.s32 $0xFFFFF480, s22;
	s0 =	sand.u32 $0x1FFFFFF0, s24;
	s25 =	spop (v2sf)  }
0xa0: {  	(v2sf) =	vpush v0, $0x9;
	s0 =	sadd.s32 s3, s0;
	s14 =	sand.u32 $0x1FFFFFF0, s25;
	s26 =	spop (v2sf)  }
0xa1: {  	[tilespmem:s9], [sflag:$0x3] =	stream.linear.gather [hbm4b:s0+s2], $0x80, $0x38;
	[tilespmem:$0x10200] =	vst v63  }
0xa2: {  	(v2sf) =	vpush v0, $0xA;
	s14 =	sadd.s32 s3, s14;
	s18 =	sand.u32 $0x1FFFFFF0, s26;
	s20 =	spop (v2sf)  }
0xa3: {  	[tilespmem:s8], [sflag:$0x4] =	stream.linear.gather [hbm4b:s14+s2], $0x80, $0x38;
	[tilespmem:$0x10200] =	vst v63  }
0xa4: {  	(v2sf) =	vpush v0, $0xB;
	s24 =	sadd.s32 s3, s18;
	s25 =	sand.u32 $0x1FFFFFF0, s20;
	s26 =	spop (v2sf)  }
0xa5: {  	[tilespmem:s17], [sflag:$0x5] =	stream.linear.gather [hbm4b:s24+s2], $0x80, $0x38;
	[tilespmem:$0x10200] =	vst v63  }
0xa6: {  	(v2sf) =	vpush v0, $0xC;
	s8 =	sadd.s32 s3, s25;
	s9 =	sand.u32 $0x1FFFFFF0, s26;
	s14 =	spop (v2sf)  }
0xa7: {  	[tilespmem:s7], [sflag:$0x6] =	stream.linear.gather [hbm4b:s8+s2], $0x80, $0x38;
	[tilespmem:$0x10200] =	vst v63  }
0xa8: {  	s0 =	sadd.s32 $0xFFFFF400, s22;
	(v2sf) =	vpush v0, $0xD;
	s15 =	sadd.s32 s3, s9;
	s17 =	sand.u32 $0x1FFFFFF0, s14  }
0xa9: {  	[tilespmem:s5], [sflag:$0x7] =	stream.linear.gather [hbm4b:s15+s2], $0x80, $0x38;
	[tilespmem:$0x10200] =	vst v63  }
0xaa: {  	s18 =	sadd.s32 $0xFFFFF380, s22;
	s8 =	sadd.s32 s3, s17;
	s20 =	spop (v2sf);
	(v2sf) =	vpush v0, $0xE  }
0xab: {  	[tilespmem:s4], [sflag:$0x8] =	stream.linear.gather [hbm4b:s8+s2], $0x80, $0x38;
	[tilespmem:$0x10200] =	vst v63  }
0xac: {  	s24 =	sadd.s32 $0xFFFFF300, s22;
	s7 =	sand.u32 $0x1FFFFFF0, s20;
	s25 =	spop (v2sf);
	(v2sf) =	vpush v0, $0xF;
	v62 =	vld [tilespmem:s16+$0x10]  }
0xad: {  	s7 =	sadd.s32 s3, s7;
	s8 =	sand.u32 $0x1FFFFFF0, s25;
	s26 =	spop (v2sf)  }
0xae: {  	[tilespmem:s24], [sflag:$0x7] =	stream.linear.gather [hbm4b:s7+s2], $0x80, $0x38;
	[tilespmem:$0x10200] =	vst v63  }
0xaf: {  	s14 =	sadd.s32 s3, s8;
	s15 =	sand.u32 $0x1FFFFFF0, s26;
	s16 =	spop (v2sf)  }
0xb0: {  	[tilespmem:s18], [sflag:$0x8] =	stream.linear.gather [hbm4b:s14+s2], $0x80, $0x38;
	[tilespmem:$0x10200] =	vst v63  }
0xb1: {  	s17 =	sadd.s32 s3, s15;
	s18 =	sand.u32 $0x1FFFFFF0, s16;
	s20 =	spop (v2sf);
	v0 =	vshll.u32 v62, $0x4  }
0xb2: {  	[tilespmem:s0], [sflag:$0x1] =	stream.linear.gather [hbm4b:s17+s2], $0x80, $0x38;
	(v2sf) =	vpush v0, $0x0;
	[tilespmem:$0x10200] =	vst v63  }
0xb3: {  	s24 =	sadd.s32 s3, s18;
	s25 =	sand.u32 $0x1FFFFFF0, s20;
	s26 =	spop (v2sf);
	(v2sf) =	vpush v0, $0x1  }
0xb4: {  	[tilespmem:s10], [sflag:$0x2] =	stream.linear.gather [hbm4b:s24+s2], $0x80, $0x38;
	(v2sf) =	vpush v0, $0x2;
	[tilespmem:$0x10200] =	vst v63  }
0xb5: {  	s4 =	sadd.s32 s3, s25;
	s5 =	sand.u32 $0x1FFFFFF0, s26;
	s7 =	spop (v2sf)  }
0xb6: {  	[tilespmem:s13], [sflag:$0x3] =	stream.linear.gather [hbm4b:s4+s2], $0x80, $0x38;
	(v2sf) =	vpush v0, $0x3;
	[tilespmem:$0x10200] =	vst v63  }
0xb7: {  	s8 =	sadd.s32 s3, s5;
	s9 =	sand.u32 $0x1FFFFFF0, s7;
	s10 =	spop (v2sf)  }
0xb8: {  	(v2sf) =	vpush v0, $0x4;
	[tilespmem:s11], [sflag:$0x4] =	stream.linear.gather [hbm4b:s8+s2], $0x80, $0x38;
	[tilespmem:$0x10200] =	vst v63  }
0xb9: {  	s13 =	sand.u32 $0x1FFFFFF0, s10;
	s11 =	sadd.s32 s3, s9;
	s14 =	spop (v2sf)  }
0xba: {  	(v2sf) =	vpush v0, $0x5;
	[tilespmem:s12], [sflag:$0x5] =	stream.linear.gather [hbm4b:s11+s2], $0x80, $0x38;
	[tilespmem:$0x10200] =	vst v63  }
0xbb: {  	s15 =	sadd.s32 s3, s13;
	s16 =	sand.u32 $0x1FFFFFF0, s14;
	s17 =	spop (v2sf)  }
0xbc: {  	(v2sf) =	vpush v0, $0x6;
	[tilespmem:s6], [sflag:$0x6] =	stream.linear.gather [hbm4b:s15+s2], $0x80, $0x38;
	[tilespmem:$0x10200] =	vst v63  }
0xbd: {  	s18 =	sadd.s32 $0xFFFFF700, s22;
	s4 =	sadd.s32 s3, s16;
	s5 =	sand.u32 $0x1FFFFFF0, s17;
	(v2sf) =	vpush v0, $0x7  }
0xbe: {  	[tilespmem:s18], [sflag:$0x7] =	stream.linear.gather [hbm4b:s4+s2], $0x80, $0x38;
	[tilespmem:$0x10200] =	vst v63  }
0xbf: {  	s20 =	sadd.s32 $0xFFFFF780, s22;
	s25 =	sadd.s32 $0x880, s19;
	s24 =	sadd.s32 s3, s5;
	(v2sf) =	vpush v0, $0x8  }
0xc0: {  	[tilespmem:s20], [sflag:$0x8] =	stream.linear.gather [hbm4b:s24+s2], $0x80, $0x38;
	[tilespmem:$0x10200] =	vst v63  }
0xc1: {  	s26 =	sadd.s32 $0x900, s19;
	s11 =	sadd.s32 $0x800, s19;
	s10 =	spop (v2sf)  }
0xc2: {  	s5 =	sadd.s32 $0x980, s19;
	s6 =	sand.u32 $0x1FFFFFF0, s10;
	s12 =	spop (v2sf)  }
0xc3: {  	(v2sf) =	vpush v0, $0x9;
	s6 =	sadd.s32 s3, s6;
	s8 =	sand.u32 $0x1FFFFFF0, s12;
	s13 =	spop (v2sf)  }
0xc4: {  	[tilespmem:s11], [sflag:$0x1] =	stream.linear.gather [hbm4b:s6+s2], $0x80, $0x38;
	[tilespmem:$0x10200] =	vst v63  }
0xc5: {  	(v2sf) =	vpush v0, $0xA;
	s14 =	sadd.s32 s3, s8;
	s15 =	sand.u32 $0x1FFFFFF0, s13;
	s16 =	spop (v2sf)  }
0xc6: {  	[tilespmem:s25], [sflag:$0x2] =	stream.linear.gather [hbm4b:s14+s2], $0x80, $0x38;
	[tilespmem:$0x10200] =	vst v63  }
0xc7: {  	(v2sf) =	vpush v0, $0xB;
	s17 =	sadd.s32 s3, s15;
	s18 =	sand.u32 $0x1FFFFFF0, s16;
	s20 =	spop (v2sf)  }
0xc8: {  	[tilespmem:s26], [sflag:$0x3] =	stream.linear.gather [hbm4b:s17+s2], $0x80, $0x38;
	[tilespmem:$0x10200] =	vst v63  }
0xc9: {  	(v2sf) =	vpush v0, $0xC;
	s24 =	sadd.s32 s3, s18;
	s25 =	sand.u32 $0x1FFFFFF0, s20;
	s26 =	spop (v2sf)  }
0xca: {  	[tilespmem:s5], [sflag:$0x4] =	stream.linear.gather [hbm4b:s24+s2], $0x80, $0x38;
	[tilespmem:$0x10200] =	vst v63  }
0xcb: {  	s6 =	sand.u32 $0x1FFFFFF0, s26;
	s7 =	spop (v2sf);
	s5 =	sadd.s32 s3, s25  }
0xcc: {  	(v2sf) =	vpush v0, $0xD;
	s8 =	sadd.s32 s3, s6;
	s9 =	sand.u32 $0x1FFFFFF0, s7;
	s10 =	spop (v2sf)  }
0xcd: {  	[tilespmem:s1], [sflag:$0x5] =	stream.linear.gather [hbm4b:s5+s2], $0x80, $0x38;
	[tilespmem:$0x10200] =	vst v63  }
0xce: {  	s6 =	rddreg [dreg:$0x6];
	s11 =	sadd.s32 s3, s9;
	s13 =	spop (v2sf)  }
0xcf: {  	(v2sf) =	vpush v0, $0xE;
	[tilespmem:s28], [sflag:$0x6] =	stream.linear.gather [hbm4b:s8+s2], $0x80, $0x38;
	[tilespmem:$0x10200] =	vst v63  }
0xd0: {  	(v2sf) =	vpush v0, $0xF;
	s12 =	sand.u32 $0x1FFFFFF0, s10;
	s10 =	rddreg [dreg:$0x5];
	s15 =	sand.u32 $0x1FFFFFF0, s13  }
0xd1: {  	[tilespmem:s31], [sflag:$0x7] =	stream.linear.gather [hbm4b:s11+s2], $0x80, $0x38;
	[tilespmem:$0x10200] =	vst v63  }
0xd2: {  	s14 =	sadd.s32 s3, s12;
	s17 =	sadd.s32 s3, s15;
	s16 =	spop (v2sf)  }
0xd3: {  	[tilespmem:s30], [sflag:$0x8] =	stream.linear.gather [hbm4b:s14+s2], $0x80, $0x38;
	[tilespmem:$0x10200] =	vst v63  }
0xd4: {  	s28 =	rddreg [dreg:$0x7];
	s18 =	sand.u32 $0x1FFFFFF0, s16;
	s20 =	spop (v2sf);
	v63 =	vld [tilespmem:s23+$0xFFFFFFF0]  }
0xd5: {  	s14 =	rddreg [dreg:$0x4];
	s24 =	sadd.s32 s3, s18;
	s25 =	sand.u32 $0x1FFFFFF0, s20  }
0xd6: {  	s26 =	spop (v2sf);
	s18 =	rddreg [dreg:$0x8];
	s20 =	sadd.s32 $0xF00, s19  }
0xd7: {  	[tilespmem:s29], [sflag:$0x1] =	stream.linear.gather [hbm4b:s17+s2], $0x80, $0x38;
	[tilespmem:$0x10200] =	vst v63  }
0xd8: {  	s23 =	sadd.s32 $0x40, s23;
	s30 =	sand.u32 $0x1FFFFFF0, s26;
	s31 =	spop (v2sf)  }
0xd9: {  	s29 =	sadd.s32 s3, s25;
	s7 =	sadd.s32 s3, s30;
	s8 =	sand.u32 $0x1FFFFFF0, s31;
	v0 =	vshll.u32 v63, $0x4  }
0xda: {  	[tilespmem:s28], [sflag:$0x2] =	stream.linear.gather [hbm4b:s24+s2], $0x80, $0x38;
	(v2sf) =	vpush v0, $0x0;
	[tilespmem:$0x10200] =	vst v63  }
0xdb: {  	s24 =	sadd.s32 $0xF80, s19;
	s19 =	smov.u32 s22;
	s9 =	spop (v2sf);
	(v2sf) =	vpush v0, $0x1  }
0xdc: {  	s11 =	sadd.s32 s3, s8;
	s22 =	sadd.s32 $0x2000, s22;
	s0 =	sadd.s32 $0xFFFFFE80, s19;
	(v2sf) =	vpush v0, $0x2  }
0xdd: {  	[tilespmem:s6], [sflag:$0x3] =	stream.linear.gather [hbm4b:s29+s2], $0x80, $0x38;
	[tilespmem:$0x10200] =	vst v63  }
0xde: {  	s5 =	sadd.s32 $0xFFFFFD00, s19;
	s8 =	sadd.s32 $0xFFFFFB80, s19;
	s13 =	spop (v2sf);
	(v2sf) =	vpush v0, $0x3  }
0xdf: {  	s26 =	sadd.s32 $0xFFFFF880, s19;
	s12 =	sand.u32 $0x1FFFFFF0, s9;
	s17 =	spop (v2sf)  }
0xe0: {  	[tilespmem:s10], [sflag:$0x4] =	stream.linear.gather [hbm4b:s7+s2], $0x80, $0x38;
	(v2sf) =	vpush v0, $0x4;
	[tilespmem:$0x10200] =	vst v63  }
0xe1: {  	s6 =	sadd.s32 $0xFFFFFC80, s19;
	s9 =	sadd.s32 $0xFFFFFB00, s19;
	s29 =	sadd.s32 $0xFFFFF800, s19  }
0xe2: {  	[tilespmem:s14], [sflag:$0x5] =	stream.linear.gather [hbm4b:s11+s2], $0x80, $0x38;
	(v2sf) =	vpush v0, $0x5;
	[tilespmem:$0x10200] =	vst v63  }
0xe3: {  	s15 =	sadd.s32 s3, s12;
	s16 =	sand.u32 $0x1FFFFFF0, s13;
	s12 =	sadd.s32 $0xFFFFFA80, s19  }
0xe4: {  	[tilespmem:s18], [sflag:$0x6] =	stream.linear.gather [hbm4b:s15+s2], $0x80, $0x38;
	(v2sf) =	vpush v0, $0x6;
	[tilespmem:$0x10200] =	vst v63  }
0xe5: {  	s13 =	rddreg [dreg:$0x3];
	s1 =	sadd.s32 s3, s16;
	s4 =	sand.u32 $0x1FFFFFF0, s17  }
0xe6: {  	[tilespmem:s20], [sflag:$0x7] =	stream.linear.gather [hbm4b:s1+s2], $0x80, $0x38;
	[tilespmem:$0x10200] =	vst v63  }
0xe7: {  	s7 =	sadd.s32 $0xFFFFFC00, s19;
	s10 =	sadd.s32 $0xFFFFF980, s19;
	s25 =	sadd.s32 s3, s4  }
0xe8: {  	(v2sf) =	vpush v0, $0x7;
	[tilespmem:s24], [sflag:$0x8] =	stream.linear.gather [hbm4b:s25+s2], $0x80, $0x38;
	[tilespmem:$0x10200] =	vst v63  }
0xe9: {  	s4 =	sadd.s32 $0xFFFFFD80, s19;
	s11 =	sadd.s32 $0xFFFFFA00, s19;
	s28 =	spop (v2sf)  }
0xea: {  	s14 =	sadd.s32 $0xFFFFF900, s19;
	(v2sf) =	vpush v0, $0x8;
	s15 =	sand.u32 $0x1FFFFFF0, s28;
	s30 =	spop (v2sf)  }
0xeb: {  	(v2sf) =	vpush v0, $0x9;
	s15 =	sadd.s32 s3, s15;
	s17 =	sand.u32 $0x1FFFFFF0, s30;
	s31 =	spop (v2sf)  }
0xec: {  	[tilespmem:s29], [sflag:$0x1] =	stream.linear.gather [hbm4b:s15+s2], $0x80, $0x38;
	[tilespmem:$0x10200] =	vst v63  }
0xed: {  	(v2sf) =	vpush v0, $0xA;
	s17 =	sadd.s32 s3, s17;
	s18 =	sand.u32 $0x1FFFFFF0, s31;
	s24 =	spop (v2sf)  }
0xee: {  	[tilespmem:s26], [sflag:$0x2] =	stream.linear.gather [hbm4b:s17+s2], $0x80, $0x38;
	[tilespmem:$0x10200] =	vst v63  }
0xef: {  	s25 =	sadd.s32 s3, s18;
	s28 =	spop (v2sf);
	s26 =	sand.u32 $0x1FFFFFF0, s24  }
0xf0: {  	[tilespmem:s14], [sflag:$0x3] =	stream.linear.gather [hbm4b:s25+s2], $0x80, $0x38;
	[tilespmem:$0x10200] =	vst v63  }
0xf1: {  	s30 =	sand.u32 $0x1FFFFFF0, s28;
	s31 =	spop (v2sf);
	s29 =	sadd.s32 s3, s26  }
0xf2: {  	[tilespmem:s10], [sflag:$0x4] =	stream.linear.gather [hbm4b:s29+s2], $0x80, $0x38;
	[tilespmem:$0x10200] =	vst v63  }
0xf3: {  	s15 =	sand.u32 $0x1FFFFFF0, s31;
	s16 =	spop (v2sf);
	s14 =	sadd.s32 s3, s30  }
0xf4: {  	[tilespmem:s11], [sflag:$0x5] =	stream.linear.gather [hbm4b:s14+s2], $0x80, $0x38;
	[tilespmem:$0x10200] =	vst v63  }
0xf5: {  	s1 =	sadd.s32 $0xFFFFFE00, s19;
	s17 =	sadd.s32 s3, s15;
	s18 =	sand.u32 $0x1FFFFFF0, s16  }
0xf6: {  	[tilespmem:s12], [sflag:$0x6] =	stream.linear.gather [hbm4b:s17+s2], $0x80, $0x38;
	[tilespmem:$0x10200] =	vst v63  }
0xf7: {  	s20 =	sadd.s32 $0xE80, s19;
	s24 =	spop (v2sf);
	s25 =	sadd.s32 s3, s18  }
0xf8: {  	[tilespmem:s9], [sflag:$0x7] =	stream.linear.gather [hbm4b:s25+s2], $0x80, $0x38;
	[tilespmem:$0x10200] =	vst v63  }
.Ltmp0:
0xf9: {  	(v2sf) =	vpush v0, $0xB;
	s26 =	sand.u32 $0x1FFFFFF0, s24;
	s28 =	spop (v2sf);
	(pc) =	sbr.rel @p0 .LBB2_2-.Ltmp0, $4  }
0xfa: {  	(v2sf) =	vpush v0, $0xC;
	s29 =	sadd.s32 s3, s26;
	s30 =	sand.u32 $0x1FFFFFF0, s28;
	s31 =	spop (v2sf)  }
0xfb: {  	(v2sf) =	vpush v0, $0xD;
	[tilespmem:s8], [sflag:$0x8] =	stream.linear.gather [hbm4b:s29+s2], $0x80, $0x38;
	[tilespmem:$0x10200] =	vst v63  }
0xfc: {  	(v2sf) =	vpush v0, $0xE;
	s10 =	sadd.s32 s3, s30;
	s9 =	sand.u32 $0x1FFFFFF0, s31;
	s8 =	spop (v2sf)  }
0xfd: {  	(v2sf) =	vpush v0, $0xF;
	[tilespmem:s7], [sflag:$0x1] =	stream.linear.gather [hbm4b:s10+s2], $0x80, $0x38;
	[tilespmem:$0x10200] =	vst v63  }
0xfe: {  	_ =	sdelay $0x4  }
0xff: {  	s7 =	sadd.s32 s3, s9  }
0x100: {  	[tilespmem:s6], [sflag:$0x2] =	stream.linear.gather [hbm4b:s7+s2], $0x80, $0x38;
	[tilespmem:$0x10200] =	vst v63  }
0x101: {  	s7 =	sand.u32 $0x1FFFFFF0, s8  }
0x102: {  	s6 =	sadd.s32 s3, s7  }
0x103: {  	[tilespmem:s5], [sflag:$0x3] =	stream.linear.gather [hbm4b:s6+s2], $0x80, $0x38;
	[tilespmem:$0x10200] =	vst v63  }
0x104: {  	s8 =	spop (v2sf)  }
0x105: {  	s5 =	sand.u32 $0x1FFFFFF0, s8  }
0x106: {  	s9 =	spop (v2sf);
	s5 =	sadd.s32 s3, s5  }
0x107: {  	[tilespmem:s4], [sflag:$0x4] =	stream.linear.gather [hbm4b:s5+s2], $0x80, $0x38;
	[tilespmem:$0x10200] =	vst v63  }
0x108: {  	s4 =	sand.u32 $0x1FFFFFF0, s9  }
0x109: {  	s10 =	spop (v2sf);
	s4 =	sadd.s32 s3, s4  }
0x10a: {  	[tilespmem:s1], [sflag:$0x5] =	stream.linear.gather [hbm4b:s4+s2], $0x80, $0x38;
	[tilespmem:$0x10200] =	vst v63  }
0x10b: {  	s1 =	sand.u32 $0x1FFFFFF0, s10  }
0x10c: {  	s11 =	spop (v2sf);
	s1 =	sadd.s32 s3, s1  }
0x10d: {  	[tilespmem:s0], [sflag:$0x6] =	stream.linear.gather [hbm4b:s1+s2], $0x80, $0x38;
	[tilespmem:$0x10200] =	vst v63  }
0x10e: {  	s0 =	sand.u32 $0x1FFFFFF0, s11  }
0x10f: {  	s12 =	sadd.s32 $0xFFFFFF00, s19;
	s14 =	spop (v2sf);
	s0 =	sadd.s32 s3, s0  }
0x110: {  	[tilespmem:s12], [sflag:$0x7] =	stream.linear.gather [hbm4b:s0+s2], $0x80, $0x38;
	[tilespmem:$0x10200] =	vst v63  }
0x111: {  	s0 =	sand.u32 $0x1FFFFFF0, s14  }
0x112: {  	s15 =	sadd.s32 $0xFFFFFF80, s19;
	s0 =	sadd.s32 s3, s0  }
0x113: {  	[tilespmem:s15], [sflag:$0x8] =	stream.linear.gather [hbm4b:s0+s2], $0x80, $0x38;
	[tilespmem:$0x10200] =	vst v63  }
0x114: {  	v0 =	vld [tilespmem:s13+$0x0];
	_ =	sdelay $0x4  }
0x115: {  	v0 =	vshll.u32 v0, $0x4  }
0x116: {  	(v2sf) =	vpush v0, $0x0;
	_ =	sdelay $0x1  }
0x117: {  	(v2sf) =	vpush v0, $0x1;
	_ =	sdelay $0x1  }
0x118: {  	(v2sf) =	vpush v0, $0x2;
	_ =	sdelay $0x3  }
0x119: {  	(v2sf) =	vpush v0, $0x3;
	_ =	sdelay $0x4  }
0x11a: {  	(v2sf) =	vpush v0, $0x4;
	_ =	sdelay $0x1  }
0x11b: {  	s16 =	spop (v2sf);
	(v2sf) =	vpush v0, $0x5;
	_ =	sdelay $0x1  }
0x11c: {  	s17 =	spop (v2sf);
	(v2sf) =	vpush v0, $0x6;
	_ =	sdelay $0x1  }
0x11d: {  	s21 =	spop (v2sf);
	(v2sf) =	vpush v0, $0x7  }
0x11e: {  	s0 =	sand.u32 $0x1FFFFFF0, s16  }
0x11f: {  	s18 =	sadd.s32 $0x80, s19;
	s0 =	sadd.s32 s3, s0;
	s1 =	sand.u32 $0x1FFFFFF0, s17  }
0x120: {  	[tilespmem:s19], [sflag:$0x1] =	stream.linear.gather [hbm4b:s0+s2], $0x80, $0x38;
	[tilespmem:$0x10200] =	vst v63  }
0x121: {  	s1 =	sadd.s32 s3, s1;
	s0 =	sand.u32 $0x1FFFFFF0, s21;
	s23 =	spop (v2sf)  }
0x122: {  	(v2sf) =	vpush v0, $0x8;
	[tilespmem:s18], [sflag:$0x2] =	stream.linear.gather [hbm4b:s1+s2], $0x80, $0x38;
	[tilespmem:$0x10200] =	vst v63  }
0x123: {  	s22 =	sadd.s32 $0x100, s19;
	s0 =	sadd.s32 s3, s0  }
0x124: {  	[tilespmem:s22], [sflag:$0x3] =	stream.linear.gather [hbm4b:s0+s2], $0x80, $0x38;
	[tilespmem:$0x10200] =	vst v63  }
0x125: {  	s0 =	sand.u32 $0x1FFFFFF0, s23  }
0x126: {  	s24 =	sadd.s32 $0x180, s19;
	s25 =	spop (v2sf);
	s0 =	sadd.s32 s3, s0  }
0x127: {  	[tilespmem:s24], [sflag:$0x4] =	stream.linear.gather [hbm4b:s0+s2], $0x80, $0x38;
	[tilespmem:$0x10200] =	vst v63  }
0x128: {  	s28 =	spop (v2sf);
	(v2sf) =	vpush v0, $0x9  }
0x129: {  	s0 =	sand.u32 $0x1FFFFFF0, s25  }
0x12a: {  	s26 =	sadd.s32 $0x200, s19;
	s0 =	sadd.s32 s3, s0;
	s30 =	spop (v2sf);
	(v2sf) =	vpush v0, $0xA  }
0x12b: {  	[tilespmem:s26], [sflag:$0x5] =	stream.linear.gather [hbm4b:s0+s2], $0x80, $0x38;
	[tilespmem:$0x10200] =	vst v63  }
0x12c: {  	s4 =	spop (v2sf);
	(v2sf) =	vpush v0, $0xB  }
0x12d: {  	s0 =	sand.u32 $0x1FFFFFF0, s28  }
0x12e: {  	s29 =	sadd.s32 $0x280, s19;
	s0 =	sadd.s32 s3, s0  }
0x12f: {  	[tilespmem:s29], [sflag:$0x6] =	stream.linear.gather [hbm4b:s0+s2], $0x80, $0x38;
	[tilespmem:$0x10200] =	vst v63  }
0x130: {  	s0 =	sand.u32 $0x1FFFFFF0, s30  }
0x131: {  	s31 =	sadd.s32 $0x300, s19;
	s6 =	spop (v2sf);
	s0 =	sadd.s32 s3, s0  }
0x132: {  	(v2sf) =	vpush v0, $0xC;
	[tilespmem:s31], [sflag:$0x7] =	stream.linear.gather [hbm4b:s0+s2], $0x80, $0x38;
	[tilespmem:$0x10200] =	vst v63  }
0x133: {  	s0 =	sand.u32 $0x1FFFFFF0, s4  }
0x134: {  	s5 =	sadd.s32 $0x380, s19;
	s0 =	sadd.s32 s3, s0  }
0x135: {  	[tilespmem:s5], [sflag:$0x8] =	stream.linear.gather [hbm4b:s0+s2], $0x80, $0x38;
	[tilespmem:$0x10200] =	vst v63  }
0x136: {  	s0 =	sand.u32 $0x1FFFFFF0, s6  }
0x137: {  	s7 =	sadd.s32 $0x400, s19;
	s0 =	sadd.s32 s3, s0;
	s8 =	spop (v2sf);
	(v2sf) =	vpush v0, $0xD  }
0x138: {  	[tilespmem:s7], [sflag:$0x1] =	stream.linear.gather [hbm4b:s0+s2], $0x80, $0x38;
	[tilespmem:$0x10200] =	vst v63  }
0x139: {  	s10 =	spop (v2sf);
	(v2sf) =	vpush v0, $0xE  }
0x13a: {  	s0 =	sand.u32 $0x1FFFFFF0, s8  }
0x13b: {  	s9 =	sadd.s32 $0x480, s19;
	s0 =	sadd.s32 s3, s0;
	s12 =	spop (v2sf)  }
0x13c: {  	(v2sf) =	vpush v0, $0xF;
	[tilespmem:s9], [sflag:$0x2] =	stream.linear.gather [hbm4b:s0+s2], $0x80, $0x38;
	[tilespmem:$0x10200] =	vst v63  }
0x13d: {  	s0 =	sand.u32 $0x1FFFFFF0, s10  }
0x13e: {  	s11 =	sadd.s32 $0x500, s19;
	s0 =	sadd.s32 s3, s0  }
0x13f: {  	[tilespmem:s11], [sflag:$0x3] =	stream.linear.gather [hbm4b:s0+s2], $0x80, $0x38;
	[tilespmem:$0x10200] =	vst v63  }
0x140: {  	s0 =	sand.u32 $0x1FFFFFF0, s12  }
0x141: {  	s14 =	sadd.s32 $0x580, s19;
	s15 =	spop (v2sf);
	s0 =	sadd.s32 s3, s0  }
0x142: {  	[tilespmem:s14], [sflag:$0x4] =	stream.linear.gather [hbm4b:s0+s2], $0x80, $0x38;
	[tilespmem:$0x10200] =	vst v63  }
0x143: {  	s0 =	sand.u32 $0x1FFFFFF0, s15  }
0x144: {  	s16 =	sadd.s32 $0x600, s19;
	s0 =	sadd.s32 s3, s0  }
0x145: {  	[tilespmem:s16], [sflag:$0x5] =	stream.linear.gather [hbm4b:s0+s2], $0x80, $0x38;
	[tilespmem:$0x10200] =	vst v63  }
0x146: {  	s17 =	spop (v2sf)  }
0x147: {  	s0 =	sand.u32 $0x1FFFFFF0, s17  }
0x148: {  	s18 =	sadd.s32 $0x680, s19;
	s21 =	spop (v2sf);
	s0 =	sadd.s32 s3, s0  }
0x149: {  	[tilespmem:s18], [sflag:$0x6] =	stream.linear.gather [hbm4b:s0+s2], $0x80, $0x38;
	[tilespmem:$0x10200] =	vst v63  }
0x14a: {  	s0 =	sand.u32 $0x1FFFFFF0, s21  }
0x14b: {  	s22 =	sadd.s32 $0x700, s19;
	s23 =	spop (v2sf);
	s0 =	sadd.s32 s3, s0  }
0x14c: {  	[tilespmem:s22], [sflag:$0x7] =	stream.linear.gather [hbm4b:s0+s2], $0x80, $0x38;
	[tilespmem:$0x10200] =	vst v63  }
0x14d: {  	s0 =	sand.u32 $0x1FFFFFF0, s23  }
0x14e: {  	s24 =	sadd.s32 $0x780, s19;
	s0 =	sadd.s32 s3, s0  }
0x14f: {  	[tilespmem:s24], [sflag:$0x8] =	stream.linear.gather [hbm4b:s0+s2], $0x80, $0x38;
	[tilespmem:$0x10200] =	vst v63  }
0x150: {  	v63 =	vld [tilespmem:s13+$0x10];
	_ =	sdelay $0x4  }
0x151: {  	v0 =	vshll.u32 v63, $0x4  }
0x152: {  	(v2sf) =	vpush v0, $0x0;
	_ =	sdelay $0x1  }
0x153: {  	(v2sf) =	vpush v0, $0x1;
	_ =	sdelay $0x1  }
0x154: {  	(v2sf) =	vpush v0, $0x2;
	_ =	sdelay $0x2  }
0x155: {  	(v2sf) =	vpush v0, $0x3;
	_ =	sdelay $0x7  }
0x156: {  	s25 =	spop (v2sf);
	(v2sf) =	vpush v0, $0x4;
	_ =	sdelay $0x1  }
0x157: {  	s28 =	spop (v2sf);
	(v2sf) =	vpush v0, $0x5;
	_ =	sdelay $0x1  }
0x158: {  	s30 =	spop (v2sf);
	(v2sf) =	vpush v0, $0x6;
	_ =	sdelay $0x1  }
0x159: {  	s0 =	sand.u32 $0x1FFFFFF0, s25  }
0x15a: {  	s26 =	sadd.s32 $0x800, s19;
	s0 =	sadd.s32 s3, s0;
	s4 =	spop (v2sf);
	(v2sf) =	vpush v0, $0x7  }
0x15b: {  	[tilespmem:s26], [sflag:$0x1] =	stream.linear.gather [hbm4b:s0+s2], $0x80, $0x38;
	[tilespmem:$0x10200] =	vst v63  }
0x15c: {  	s0 =	sand.u32 $0x1FFFFFF0, s28  }
0x15d: {  	s29 =	sadd.s32 $0x880, s19;
	s0 =	sadd.s32 s3, s0  }
0x15e: {  	[tilespmem:s29], [sflag:$0x2] =	stream.linear.gather [hbm4b:s0+s2], $0x80, $0x38;
	[tilespmem:$0x10200] =	vst v63  }
0x15f: {  	s0 =	sand.u32 $0x1FFFFFF0, s30  }
0x160: {  	s31 =	sadd.s32 $0x900, s19;
	s0 =	sadd.s32 s3, s0  }
0x161: {  	[tilespmem:s31], [sflag:$0x3] =	stream.linear.gather [hbm4b:s0+s2], $0x80, $0x38;
	[tilespmem:$0x10200] =	vst v63  }
0x162: {  	s6 =	spop (v2sf);
	(v2sf) =	vpush v0, $0x8  }
0x163: {  	s0 =	sand.u32 $0x1FFFFFF0, s4  }
0x164: {  	s5 =	sadd.s32 $0x980, s19;
	s0 =	sadd.s32 s3, s0;
	s8 =	spop (v2sf);
	(v2sf) =	vpush v0, $0x9  }
0x165: {  	[tilespmem:s5], [sflag:$0x4] =	stream.linear.gather [hbm4b:s0+s2], $0x80, $0x38;
	[tilespmem:$0x10200] =	vst v63  }
0x166: {  	s0 =	sand.u32 $0x1FFFFFF0, s6;
	s10 =	spop (v2sf);
	(v2sf) =	vpush v0, $0xA  }
0x167: {  	s7 =	sadd.s32 $0xA00, s19;
	s0 =	sadd.s32 s3, s0  }
0x168: {  	[tilespmem:s7], [sflag:$0x5] =	stream.linear.gather [hbm4b:s0+s2], $0x80, $0x38;
	[tilespmem:$0x10200] =	vst v63  }
0x169: {  	s12 =	spop (v2sf);
	(v2sf) =	vpush v0, $0xB  }
0x16a: {  	s0 =	sand.u32 $0x1FFFFFF0, s8  }
0x16b: {  	s9 =	sadd.s32 $0xA80, s19;
	s0 =	sadd.s32 s3, s0  }
0x16c: {  	[tilespmem:s9], [sflag:$0x6] =	stream.linear.gather [hbm4b:s0+s2], $0x80, $0x38;
	[tilespmem:$0x10200] =	vst v63  }
0x16d: {  	s0 =	sand.u32 $0x1FFFFFF0, s10  }
0x16e: {  	s11 =	sadd.s32 $0xB00, s19;
	s0 =	sadd.s32 s3, s0  }
0x16f: {  	[tilespmem:s11], [sflag:$0x7] =	stream.linear.gather [hbm4b:s0+s2], $0x80, $0x38;
	[tilespmem:$0x10200] =	vst v63  }
0x170: {  	s0 =	sand.u32 $0x1FFFFFF0, s12  }
0x171: {  	s13 =	sadd.s32 $0xB80, s19;
	s0 =	sadd.s32 s3, s0;
	s14 =	spop (v2sf);
	(v2sf) =	vpush v0, $0xC  }
0x172: {  	[tilespmem:s13], [sflag:$0x8] =	stream.linear.gather [hbm4b:s0+s2], $0x80, $0x38;
	[tilespmem:$0x10200] =	vst v63  }
0x173: {  	s16 =	spop (v2sf);
	(v2sf) =	vpush v0, $0xD  }
0x174: {  	s0 =	sand.u32 $0x1FFFFFF0, s14  }
0x175: {  	s15 =	sadd.s32 $0xC00, s19;
	s0 =	sadd.s32 s3, s0;
	s18 =	spop (v2sf)  }
0x176: {  	(v2sf) =	vpush v0, $0xE;
	[tilespmem:s15], [sflag:$0x1] =	stream.linear.gather [hbm4b:s0+s2], $0x80, $0x38;
	[tilespmem:$0x10200] =	vst v63  }
0x177: {  	s0 =	sand.u32 $0x1FFFFFF0, s16  }
0x178: {  	s17 =	sadd.s32 $0xC80, s19;
	s22 =	spop (v2sf);
	s0 =	sadd.s32 s3, s0  }
0x179: {  	(v2sf) =	vpush v0, $0xF;
	[tilespmem:s17], [sflag:$0x2] =	stream.linear.gather [hbm4b:s0+s2], $0x80, $0x38;
	[tilespmem:$0x10200] =	vst v63  }
0x17a: {  	s0 =	sand.u32 $0x1FFFFFF0, s18  }
0x17b: {  	s21 =	sadd.s32 $0xD00, s19;
	s0 =	sadd.s32 s3, s0  }
0x17c: {  	[tilespmem:s21], [sflag:$0x3] =	stream.linear.gather [hbm4b:s0+s2], $0x80, $0x38;
	[tilespmem:$0x10200] =	vst v63  }
0x17d: {  	s0 =	sand.u32 $0x1FFFFFF0, s22  }
0x17e: {  	s23 =	sadd.s32 $0xD80, s19;
	s0 =	sadd.s32 s3, s0  }
0x17f: {  	[tilespmem:s23], [sflag:$0x4] =	stream.linear.gather [hbm4b:s0+s2], $0x80, $0x38;
	[tilespmem:$0x10200] =	vst v63  }
0x180: {  	s24 =	spop (v2sf)  }
0x181: {  	s0 =	sand.u32 $0x1FFFFFF0, s24  }
0x182: {  	s25 =	sadd.s32 $0xE00, s19;
	s26 =	spop (v2sf);
	s0 =	sadd.s32 s3, s0  }
0x183: {  	[tilespmem:s25], [sflag:$0x5] =	stream.linear.gather [hbm4b:s0+s2], $0x80, $0x38;
	[tilespmem:$0x10200] =	vst v63  }
0x184: {  	s0 =	sand.u32 $0x1FFFFFF0, s26  }
0x185: {  	s28 =	spop (v2sf);
	s0 =	sadd.s32 s3, s0  }
0x186: {  	[tilespmem:s20], [sflag:$0x6] =	stream.linear.gather [hbm4b:s0+s2], $0x80, $0x38;
	[tilespmem:$0x10200] =	vst v63  }
0x187: {  	s0 =	sand.u32 $0x1FFFFFF0, s28  }
0x188: {  	s29 =	sadd.s32 $0xF00, s19;
	s30 =	spop (v2sf);
	s0 =	sadd.s32 s3, s0  }
0x189: {  	[tilespmem:s29], [sflag:$0x7] =	stream.linear.gather [hbm4b:s0+s2], $0x80, $0x38;
	[tilespmem:$0x10200] =	vst v63  }
0x18a: {  	s0 =	sand.u32 $0x1FFFFFF0, s30  }
0x18b: {  	s1 =	simm.s32 $0x1;
	s31 =	sadd.s32 $0xF80, s19;
	s0 =	sadd.s32 s3, s0  }
0x18c: {  	[tilespmem:s31], [sflag:$0x8] =	stream.linear.gather [hbm4b:s0+s2], $0x80, $0x38;
	[tilespmem:$0x10200] =	vst v63  }
0x18d: {  	_ =	swait.ge [sflag:s1], $0x80  }
0x18e: {  	[sflag:s1] =	ssyncset.done $0x0  }
0x18f: {  	s4 =	simm.s32 $0x2;
	[sflag:s1] =	ssyncadd.s32 $0xFFFFFF80  }
0x190: {  	_ =	swait.ge [sflag:s4], $0x80  }
0x191: {  	[sflag:s4] =	ssyncset.done $0x0  }
0x192: {  	s5 =	simm.s32 $0x3;
	[sflag:s4] =	ssyncadd.s32 $0xFFFFFF80  }
0x193: {  	_ =	swait.ge [sflag:s5], $0x80  }
0x194: {  	[sflag:s5] =	ssyncset.done $0x0  }
0x195: {  	s6 =	simm.s32 $0x4;
	[sflag:s5] =	ssyncadd.s32 $0xFFFFFF80  }
0x196: {  	_ =	swait.ge [sflag:s6], $0x80  }
0x197: {  	[sflag:s6] =	ssyncset.done $0x0  }
0x198: {  	s7 =	simm.s32 $0x5;
	[sflag:s6] =	ssyncadd.s32 $0xFFFFFF80  }
0x199: {  	_ =	swait.ge [sflag:s7], $0x80  }
0x19a: {  	[sflag:s7] =	ssyncset.done $0x0  }
0x19b: {  	s8 =	simm.s32 $0x6;
	[sflag:s7] =	ssyncadd.s32 $0xFFFFFF80  }
0x19c: {  	_ =	swait.ge [sflag:s8], $0x80  }
0x19d: {  	[sflag:s8] =	ssyncset.done $0x0  }
0x19e: {  	s9 =	simm.s32 $0x7;
	[sflag:s8] =	ssyncadd.s32 $0xFFFFFF80  }
0x19f: {  	_ =	swait.ge [sflag:s9], $0x80  }
0x1a0: {  	[sflag:s9] =	ssyncset.done $0x0  }
0x1a1: {  	s10 =	simm.s32 $0x8;
	[sflag:s9] =	ssyncadd.s32 $0xFFFFFF80  }
0x1a2: {  	_ =	swait.ge [sflag:s10], $0x80  }
0x1a3: {  	s0 =	simm.s32 $0x3F;
	[sflag:s10] =	ssyncset.done $0x0  }
.LBB2_4:
0x1a4: {  	p0 =	sne.s32 s0, $0x1;
	s0 =	sadd.s32 $0xFFFFFFFF, s0;
	[sflag:s10] =	ssyncadd.s32 $0xFFFFFF80  }
0x1a5: {  	_ =	swait.ge [sflag:s1], $0x80  }
0x1a6: {  	[sflag:s1] =	ssyncset.done $0x0  }
0x1a7: {  	[sflag:s1] =	ssyncadd.s32 $0xFFFFFF80  }
0x1a8: {  	_ =	swait.ge [sflag:s4], $0x80  }
0x1a9: {  	[sflag:s4] =	ssyncset.done $0x0  }
0x1aa: {  	[sflag:s4] =	ssyncadd.s32 $0xFFFFFF80  }
0x1ab: {  	_ =	swait.ge [sflag:s5], $0x80  }
0x1ac: {  	[sflag:s5] =	ssyncset.done $0x0  }
0x1ad: {  	[sflag:s5] =	ssyncadd.s32 $0xFFFFFF80  }
0x1ae: {  	_ =	swait.ge [sflag:s6], $0x80  }
0x1af: {  	[sflag:s6] =	ssyncset.done $0x0  }
0x1b0: {  	[sflag:s6] =	ssyncadd.s32 $0xFFFFFF80  }
0x1b1: {  	_ =	swait.ge [sflag:s7], $0x80  }
0x1b2: {  	[sflag:s7] =	ssyncset.done $0x0  }
0x1b3: {  	[sflag:s7] =	ssyncadd.s32 $0xFFFFFF80  }
0x1b4: {  	_ =	swait.ge [sflag:s8], $0x80  }
0x1b5: {  	[sflag:s8] =	ssyncset.done $0x0  }
0x1b6: {  	[sflag:s8] =	ssyncadd.s32 $0xFFFFFF80  }
.Ltmp1:
0x1b7: {  	_ =	swait.ge [sflag:s9], $0x80;
	(pc) =	sbr.rel @p0 .LBB2_4-.Ltmp1, $4  }
0x1b8: {  	[sflag:s9] =	ssyncset.done $0x0  }
0x1b9: {  	[sflag:s9] =	ssyncadd.s32 $0xFFFFFF80  }
0x1ba: {  	_ =	swait.ge [sflag:s10], $0x80  }
0x1bb: {  	[sflag:s10] =	ssyncset.done $0x0  }
0x1bc: {  	[sflag:s10] =	ssyncadd.s32 $0xFFFFFF80;
	s0 =	rddreg [dreg:$0xa];
	s1 =	simm.s32 $0x200  }
0x1bd: {  	[hbm4b:s0+s2] =	stream.linear.scatter [tilespmem:s1], [sflag:$0x9], $0x10000, $0x38;
	[tilespmem:$0x10200] =	vst v63  }
0x1be: {  	s1 =	simm.s32 $0x9  }
0x1bf: {  	_ =	swait.ge [sflag:s1], $0x10000  }
0x1c0: {  	s4 =	rddreg [dreg:$0xc]  }
0x1c1: {  	s31 =	rddreg [dreg:$0xb];
	s4 =	sadd.s32 $0x1, s4  }
0x1c2: {  	p0 =	sne.s32 s4, s31  }
.Ltmp2:
0x1c3: {  	_ = 	snop;
	(pc) =	sbr.rel @p0 .LBB2_1-.Ltmp2, $3  }
0x1c4: {  	_ =	sdelay $0x1  }
0x1c5: {  	[sflag:s1] =	ssyncset.done $0x0  }
0x1c6: {  	[sflag:s1] =	ssyncadd.s32 $0xFFFF0000  }
0x1c7: {  	_ =	sfence.sel $0x180000  }
0x1c8: {  	[bflag:$0x0] =	sbarrier.arrive $0xFFFF  }
0x1c9: {  	_ =	strace $0x90000047  }
0x1ca: {  	s0 =	stileid.u32;
	[bflag:$0x2] =	sbarrier.arrive $0xFFFF  }
0x1cb: {  	p0 =	sne.s32 s0, $0x0;
	s0 =	rddreg [dreg:$0x2]  }
0x1cc: {  	s0 =	sadd.s32 @!p0 $0x100000, s0  }
0x1cd: {  	[sflag:s0] =	ssyncadd.tile.s32 @!p0 $0x1;
	_ =	shalt  }
.Lfunc_end2:
_tile_overlayer_lowered:
.L_overlay_start_2:
0x1ce: {  	(tag) =	ssettag $0x2  }
0x1cf: {  	s0 =	rddreg [dreg:$0x0];
	s2 =	stileid.u32  }
0x1d0: {  	s1 =	rddreg [dreg:$0x1];
	p0 =	sne.s32 s2, $0x0  }
0x1d1: {  	s3 =	rddreg [dreg:$0x2];
	[bflag:$0x3] =	sbarrier.arrive $0xFFFF;
	s2 =	simm.s32 @!p0 $0x1C09  }
0x1d2: {  	[timem:s3], [sflag:s2] =	dma.local @!p0 [hbm:s0], s1  }
0x1d3: {  	s0 =	simm.s32 @!p0 $0x9  }
0x1d4: {  	_ =	swait.ge @!p0 [sflag:s0], s1  }
0x1d5: {  	s1 =	ssub.s32 @!p0 $0x0, s1;
	[sflag:s0] =	ssyncset.done @!p0 $0x0  }
0x1d6: {  	[sflag:s0] =	ssyncadd.s32 @!p0 s1  }
0x1d7: {  	[bflag:$0x3] =	sbarrier.arrive $0xFFFF  }
0x1d8: {  	_ =	shalt  }

</sc_bundles>
